<compile_context>
chip_gen: v7x
topology: tpu7x:2x2x1
jax: 0.10.2.dev20260603
libtpu: 0.0.44.dev20260713+nightly
codegen_flags: <defaults>
</compile_context>

<pallas_src>
import dataclasses
import functools

import jax
import jax.numpy as jnp
from jax import lax
from jax.experimental import pallas as pl
from jax.experimental.pallas import tpu as pltpu
from jax.experimental.pallas import tpu_sc as plsc

B = 16384
F = 26
V = 100000
D = 16
ND = 13
H = 400
FD = F * D
TPF = D + 1
NT = F * TPF

_NC = 2
_NS = 16
_NW = _NC * _NS
_ICH = 2048
_NCH = B // _ICH


def _sc_compiler_params():
    cp = pltpu.CompilerParams(use_tc_tiling_on_sc=True)
    if "needs_layout_passes" in pltpu.CompilerParams.__dataclass_fields__:
        cp = dataclasses.replace(cp, needs_layout_passes=False)
    return cp


def _sc_gather(tab2d, lin2d, idxT):
    mesh = plsc.VectorSubcoreMesh(core_axis_name="c", subcore_axis_name="s")

    @functools.partial(
        pl.kernel,
        mesh=mesh,
        out_type=(
            jax.ShapeDtypeStruct((FD, B), jnp.float32),
            jax.ShapeDtypeStruct((F, B), jnp.float32),
        ),
        scratch_types=[
            pltpu.VMEM((V,), jnp.float32),
            pltpu.VMEM((B,), jnp.int32),
            pltpu.VMEM((_ICH,), jnp.float32),
            pltpu.VMEM((_ICH,), jnp.float32),
            pltpu.SemaphoreType.DMA,
            pltpu.SemaphoreType.DMA,
            pltpu.SemaphoreType.DMA,
        ],
        compiler_params=_sc_compiler_params(),
    )
    def gather_kernel(tab_hbm, lin_hbm, idx_hbm, embT_out, linT_out,
                      plane_v, idx_v, out_a, out_b, sem_a, sem_b, sem_p):
        wid = lax.axis_index("s") * _NC + lax.axis_index("c")
        lo = wid * NT // _NW
        hi = (wid + 1) * NT // _NW

        def gather_chunk(base, out_v):
            @plsc.parallel_loop(0, _ICH, 16, unroll=8)
            def _(j):
                sl = pl.ds(j, 16)
                out_v[sl] = plsc.load_gather(
                    plane_v, [idx_v[pl.ds(base + j, 16)]])

        def do_plane(out_hbm, out_row, first):
            @pl.loop(0, _NCH, step=2)
            def _(c):
                not_first = jnp.logical_or(c > 0, jnp.logical_not(first))

                @pl.when(not_first)
                def _():
                    pltpu.make_async_copy(
                        out_a, out_hbm.at[out_row, pl.ds(0, _ICH)],
                        sem_a).wait()

                gather_chunk(c * _ICH, out_a)
                pltpu.async_copy(
                    out_a, out_hbm.at[out_row, pl.ds(c * _ICH, _ICH)], sem_a)

                @pl.when(not_first)
                def _():
                    pltpu.make_async_copy(
                        out_b, out_hbm.at[out_row, pl.ds(0, _ICH)],
                        sem_b).wait()

                gather_chunk((c + 1) * _ICH, out_b)
                pltpu.async_copy(
                    out_b, out_hbm.at[out_row, pl.ds((c + 1) * _ICH, _ICH)],
                    sem_b)

        @pl.loop(lo, hi)
        def _(t):
            f = t // TPF
            k = t - f * TPF
            first = t == lo

            @pl.when(jnp.logical_or(first, k == 0))
            def _():
                pltpu.sync_copy(idx_hbm.at[f], idx_v)

            @pl.when(k < D)
            def _():
                pltpu.sync_copy(tab_hbm.at[f * D + k], plane_v)
                do_plane(embT_out, f * D + k, first)

            @pl.when(k == D)
            def _():
                pltpu.sync_copy(lin_hbm.at[f], plane_v)
                do_plane(linT_out, f, first)

        pltpu.make_async_copy(
            out_a, embT_out.at[0, pl.ds(0, _ICH)], sem_a).wait()
        pltpu.make_async_copy(
            out_b, embT_out.at[0, pl.ds(0, _ICH)], sem_b).wait()

    return gather_kernel(tab2d, lin2d, idxT)


_BS = 512


def _tc_body(embT_ref, denseT_ref, linT_ref, w1e_ref, w1d_ref, b1_ref,
             w2_ref, b2_ref, w3_ref, dw_ref, c0_ref, out_ref):
    eT = embT_ref[...]
    dT = denseT_ref[...]
    dn0 = (((0,), (0,)), ((), ()))
    bf = jnp.bfloat16
    eTb = eT.astype(bf)
    x1 = lax.dot_general(eTb, w1e_ref[...].astype(bf), dn0,
                         preferred_element_type=jnp.float32)
    x1 = x1 + lax.dot_general(dT, w1d_ref[...], dn0,
                              preferred_element_type=jnp.float32)
    h = jnp.tanh(x1 + b1_ref[...])
    h = jnp.tanh(lax.dot_general(
        h.astype(bf), w2_ref[...].astype(bf), (((1,), (0,)), ((), ())),
        preferred_element_type=jnp.float32) + b2_ref[...])
    deep = jnp.sum(h * w3_ref[...], axis=1)
    r = lax.broadcasted_iota(jnp.int32, (FD, D), 0)
    c = lax.broadcasted_iota(jnp.int32, (FD, D), 1)
    s_mat = jnp.where(lax.rem(r, D) == c, 1.0, 0.0).astype(bf)
    t = lax.dot_general(eTb, s_mat, dn0,
                        preferred_element_type=jnp.float32)
    inter = 0.5 * (jnp.sum(t * t, axis=1) - jnp.sum(eT * eT, axis=0))
    linear = (jnp.sum(linT_ref[...], axis=0)
              + jnp.sum(dT * dw_ref[...], axis=0) + c0_ref[0, 0])
    out_ref[...] = deep + inter + linear


def _tc_forward(embT, denseT, linT, w1e, w1d, b1r, w2, b2r, w3c, dwc, c0):
    return pl.pallas_call(
        _tc_body,
        grid=(B // _BS,),
        in_specs=[
            pl.BlockSpec((FD, _BS), lambda i: (0, i)),
            pl.BlockSpec((ND, _BS), lambda i: (0, i)),
            pl.BlockSpec((F, _BS), lambda i: (0, i)),
            pl.BlockSpec((FD, H), lambda i: (0, 0)),
            pl.BlockSpec((ND, H), lambda i: (0, 0)),
            pl.BlockSpec((1, H), lambda i: (0, 0)),
            pl.BlockSpec((H, H), lambda i: (0, 0)),
            pl.BlockSpec((1, H), lambda i: (0, 0)),
            pl.BlockSpec((1, H), lambda i: (0, 0)),
            pl.BlockSpec((ND, 1), lambda i: (0, 0)),
            pl.BlockSpec((1, 1), lambda i: (0, 0)),
        ],
        out_specs=pl.BlockSpec((_BS,), lambda i: (i,)),
        out_shape=jax.ShapeDtypeStruct((B,), jnp.float32),
        compiler_params=pltpu.CompilerParams(
            dimension_semantics=("parallel",)),
    )(embT, denseT, linT, w1e, w1d, b1r, w2, b2r, w3c, dwc, c0)


def kernel(sparse, dense, embed_tables, linear_tables, dense_w, bias,
           W1, b1, W2, b2, W3, b3):
    tab2d = jnp.transpose(embed_tables, (0, 2, 1)).reshape(FD, V)
    idxT = jnp.transpose(sparse).astype(jnp.int32)
    denseT = jnp.transpose(dense)
    embT, linT = _sc_gather(tab2d, linear_tables, idxT)
    c0 = (bias + b3[0]).reshape(1, 1)
    return _tc_forward(
        embT, denseT, linT,
        W1[:FD], W1[FD:], b1.reshape(1, H), W2, b2.reshape(1, H),
        W3.reshape(1, H), dense_w.reshape(ND, 1), c0)

# --- scband reference (transcript-rebuilt; emitter-appended) ---
"""Pipeline reference for scband-deep-fm-65867618452130 (READ-ONLY COPY).

The authoritative reference and input builder live on the scoring server;
editing this copy changes nothing except your own understanding.
"""

import jax, jax.numpy as jnp
import numpy as np

B = 16384
F = 26
V = 100000
D = 16
ND = 13

def setup_inputs(seed: int = 0) -> dict:
    key = jax.random.key(seed)
    ks = jax.random.split(key, 12)
    sparse = jax.random.randint(ks[0], (B, F), 0, V, dtype=jnp.int64)
    dense = jax.random.normal(ks[1], (B, ND), dtype=jnp.float32)
    embed_tables = jax.random.normal(ks[2], (F, V, D), dtype=jnp.float32) * 0.01
    linear_tables = jax.random.normal(ks[3], (F, V), dtype=jnp.float32) * 0.01
    dense_w = jax.random.normal(ks[4], (ND,), dtype=jnp.float32) * 0.01
    bias = jnp.zeros((), dtype=jnp.float32)
    in_dim = F * D + ND
    W1 = jax.random.normal(ks[5], (in_dim, 400), dtype=jnp.float32) * (1.0 / np.sqrt(in_dim))
    b1 = jnp.zeros((400,), dtype=jnp.float32)
    W2 = jax.random.normal(ks[6], (400, 400), dtype=jnp.float32) * (1.0 / np.sqrt(400))
    b2 = jnp.zeros((400,), dtype=jnp.float32)
    W3 = jax.random.normal(ks[7], (400, 1), dtype=jnp.float32) * (1.0 / np.sqrt(400))
    b3 = jnp.zeros((1,), dtype=jnp.float32)
    return {"sparse": sparse, "dense": dense, "embed_tables": embed_tables,
            "linear_tables": linear_tables, "dense_w": dense_w, "bias": bias,
            "W1": W1, "b1": b1, "W2": W2, "b2": b2, "W3": W3, "b3": b3}

def reference(sparse, dense, embed_tables, linear_tables, dense_w, bias, W1, b1, W2, b2, W3, b3):
    field_idx = jnp.arange(F)[None, :]  # [1, F]
    # SparseEmbeddingLayer: per-field embedding gather -> [B, F, D]
    emb = embed_tables[field_idx, sparse]            # [B, F, D]
    deep_embed_x = emb.reshape(B, F * D)             # concat along axis=-1
    # DenseFeatCatLayer: dense features concatenated -> [B, ND]
    dense_x = dense
    # Linear (first-order) term
    linear_sparse = linear_tables[field_idx, sparse].sum(axis=-1)  # [B]
    linear_out = linear_sparse + dense_x @ dense_w + bias          # [B]
    # FM second-order interaction
    sum_sq = jnp.square(emb.sum(axis=1))             # [B, D]
    sq_sum = jnp.square(emb).sum(axis=1)             # [B, D]
    inter_out = 0.5 * (sum_sq - sq_sum).sum(axis=-1) # [B]
    # DNN with tanh activations
    x = jnp.concatenate([deep_embed_x, dense_x], axis=-1)  # [B, F*D+ND]
    h = jnp.tanh(x @ W1 + b1)
    h = jnp.tanh(h @ W2 + b2)
    deep_out = (h @ W3 + b3).squeeze(1)              # [B]
    out = linear_out + inter_out + deep_out
    return out

if __name__ == "__main__":
    import jax
    _d = setup_inputs()
    print(jax.jit(kernel)(*tuple(_d.values())))

</pallas_src>

<mosaic_0001>
#map = affine_map<(d0, d1) -> (0, 0)>
module attributes {stable_mosaic.version = 14 : i64} {
  func.func @gather_kernel(%arg0: i32, %arg1: i32, %arg2: memref<416x100000xf32, #tpu.memory_space<hbm>>, %arg3: memref<26x100000xf32, #tpu.memory_space<hbm>>, %arg4: memref<26x16384xi32, #tpu.memory_space<hbm>>, %arg5: memref<416x16384xf32, #tpu.memory_space<hbm>>, %arg6: memref<26x16384xf32, #tpu.memory_space<hbm>>, %arg7: memref<100000xf32, #tpu.memory_space<vmem>>, %arg8: memref<16384xi32, #tpu.memory_space<vmem>>, %arg9: memref<2048xf32, #tpu.memory_space<vmem>>, %arg10: memref<2048xf32, #tpu.memory_space<vmem>>, %arg11: memref<!tpu.dma_semaphore, #tpu.memory_space<semaphore_mem>>, %arg12: memref<!tpu.dma_semaphore, #tpu.memory_space<semaphore_mem>>, %arg13: memref<!tpu.dma_semaphore, #tpu.memory_space<semaphore_mem>>) attributes {dimension_semantics = [#tpu.dimension_semantics<core_parallel>, #tpu.dimension_semantics<subcore_parallel>], iteration_bounds = array<i64: 2, 16>, scalar_prefetch = 0 : i64, scratch_operands = 7 : i64, tpu.core_type = #tpu.core_type<sc_vector_subcore>, window_params = [{transform_indices = #map}, {transform_indices = #map}, {transform_indices = #map}, {transform_indices = #map}, {transform_indices = #map}]} {
    %mul3A = arith.constant 2 : i32
    %mul3A_0 = arith.muli %arg1, %mul3A : i32
    %add3A = arith.addi %mul3A_0, %arg0 : i32
    %mul3A_1 = arith.constant 442 : i32
    %mul3A_2 = arith.muli %add3A, %mul3A_1 : i32
    %jit3A = arith.constant 32 : i32
    %div3A = arith.divsi %mul3A_2, %jit3A : i32
    %sign3A = arith.constant 0 : i32
    %sign3A_3 = arith.cmpi sgt, %mul3A_2, %sign3A : i32
    %sign3A_4 = arith.extui %sign3A_3 : i1 to i32
    %sign3A_5 = arith.constant 0 : i32
    %sign3A_6 = arith.cmpi slt, %mul3A_2, %sign3A_5 : i32
    %sign3A_7 = arith.extui %sign3A_6 : i1 to i32
    %sign3A_8 = arith.subi %sign3A_4, %sign3A_7 : i32
    %sign3A_9 = arith.constant 0 : i32
    %sign3A_10 = arith.cmpi sgt, %jit3A, %sign3A_9 : i32
    %sign3A_11 = arith.extui %sign3A_10 : i1 to i32
    %sign3A_12 = arith.constant 0 : i32
    %sign3A_13 = arith.cmpi slt, %jit3A, %sign3A_12 : i32
    %sign3A_14 = arith.extui %sign3A_13 : i1 to i32
    %sign3A_15 = arith.subi %sign3A_11, %sign3A_14 : i32
    %ne3A = arith.cmpi ne, %sign3A_8, %sign3A_15 : i32
    %rem3A = arith.remsi %mul3A_2, %jit3A : i32
    %ne3A_16 = arith.constant 0 : i32
    %ne3A_17 = arith.cmpi ne, %rem3A, %ne3A_16 : i32
    %and3A = arith.andi %ne3A, %ne3A_17 : i1
    %sub3A = arith.constant 1 : i32
    %sub3A_18 = arith.subi %div3A, %sub3A : i32
    %select_n3A = arith.select %and3A, %sub3A_18, %div3A : i32
    %add3A_19 = arith.constant 1 : i32
    %add3A_20 = arith.addi %add3A, %add3A_19 : i32
    %mul3A_21 = arith.constant 442 : i32
    %mul3A_22 = arith.muli %add3A_20, %mul3A_21 : i32
    %jit3A_23 = arith.constant 32 : i32
    %div3A_24 = arith.divsi %mul3A_22, %jit3A_23 : i32
    %sign3A_25 = arith.constant 0 : i32
    %sign3A_26 = arith.cmpi sgt, %mul3A_22, %sign3A_25 : i32
    %sign3A_27 = arith.extui %sign3A_26 : i1 to i32
    %sign3A_28 = arith.constant 0 : i32
    %sign3A_29 = arith.cmpi slt, %mul3A_22, %sign3A_28 : i32
    %sign3A_30 = arith.extui %sign3A_29 : i1 to i32
    %sign3A_31 = arith.subi %sign3A_27, %sign3A_30 : i32
    %sign3A_32 = arith.constant 0 : i32
    %sign3A_33 = arith.cmpi sgt, %jit3A_23, %sign3A_32 : i32
    %sign3A_34 = arith.extui %sign3A_33 : i1 to i32
    %sign3A_35 = arith.constant 0 : i32
    %sign3A_36 = arith.cmpi slt, %jit3A_23, %sign3A_35 : i32
    %sign3A_37 = arith.extui %sign3A_36 : i1 to i32
    %sign3A_38 = arith.subi %sign3A_34, %sign3A_37 : i32
    %ne3A_39 = arith.cmpi ne, %sign3A_31, %sign3A_38 : i32
    %rem3A_40 = arith.remsi %mul3A_22, %jit3A_23 : i32
    %ne3A_41 = arith.constant 0 : i32
    %ne3A_42 = arith.cmpi ne, %rem3A_40, %ne3A_41 : i32
    %and3A_43 = arith.andi %ne3A_39, %ne3A_42 : i1
    %sub3A_44 = arith.constant 1 : i32
    %sub3A_45 = arith.subi %div3A_24, %sub3A_44 : i32
    %select_n3A_46 = arith.select %and3A_43, %sub3A_45, %div3A_24 : i32
    %sub3A_47 = arith.subi %select_n3A_46, %select_n3A : i32
    %sub3A_48 = arith.constant 1 : i32
    %sub3A_49 = arith.constant 1 : i32
    %sub3A_50 = arith.subi %sub3A_48, %sub3A_49 : i32
    %add3A_51 = arith.addi %sub3A_47, %sub3A_50 : i32
    %div3A_52 = arith.constant 1 : i32
    %div3A_53 = arith.divsi %add3A_51, %div3A_52 : i32
    %while3A = arith.constant 1 : i32
    %while3A_54 = arith.constant 0 : i32
    %while3A_55 = arith.subi %div3A_53, %while3A_54 : i32
    %while3A_56 = arith.addi %while3A_54, %while3A_55 : i32
    %while3A_57 = arith.constant 1 : i32
    %while3A_58 = arith.divsi %while3A_55, %while3A_57 : i32
    %while3A_59 = arith.muli %while3A_58, %while3A_57 : i32
    %while3A_60 = arith.addi %while3A_54, %while3A_59 : i32
    %while3A_61 = arith.constant 1 : i32
    scf.for %while3A_76 = %while3A_54 to %while3A_60 step %while3A_61  : i32 {
      %mul3A_77 = arith.muli %while3A_76, %while3A : i32
      %add3A_78 = arith.addi %select_n3A, %mul3A_77 : i32
      %jit3A_79 = arith.constant 17 : i32
      %div3A_80 = arith.divsi %add3A_78, %jit3A_79 : i32
      %sign3A_81 = arith.constant 0 : i32
      %sign3A_82 = arith.cmpi sgt, %add3A_78, %sign3A_81 : i32
      %sign3A_83 = arith.extui %sign3A_82 : i1 to i32
      %sign3A_84 = arith.constant 0 : i32
      %sign3A_85 = arith.cmpi slt, %add3A_78, %sign3A_84 : i32
      %sign3A_86 = arith.extui %sign3A_85 : i1 to i32
      %sign3A_87 = arith.subi %sign3A_83, %sign3A_86 : i32
      %sign3A_88 = arith.constant 0 : i32
      %sign3A_89 = arith.cmpi sgt, %jit3A_79, %sign3A_88 : i32
      %sign3A_90 = arith.extui %sign3A_89 : i1 to i32
      %sign3A_91 = arith.constant 0 : i32
      %sign3A_92 = arith.cmpi slt, %jit3A_79, %sign3A_91 : i32
      %sign3A_93 = arith.extui %sign3A_92 : i1 to i32
      %sign3A_94 = arith.subi %sign3A_90, %sign3A_93 : i32
      %ne3A_95 = arith.cmpi ne, %sign3A_87, %sign3A_94 : i32
      %rem3A_96 = arith.remsi %add3A_78, %jit3A_79 : i32
      %ne3A_97 = arith.constant 0 : i32
      %ne3A_98 = arith.cmpi ne, %rem3A_96, %ne3A_97 : i32
      %and3A_99 = arith.andi %ne3A_95, %ne3A_98 : i1
      %sub3A_100 = arith.constant 1 : i32
      %sub3A_101 = arith.subi %div3A_80, %sub3A_100 : i32
      %select_n3A_102 = arith.select %and3A_99, %sub3A_101, %div3A_80 : i32
      %mul3A_103 = arith.constant 17 : i32
      %mul3A_104 = arith.muli %select_n3A_102, %mul3A_103 : i32
      %sub3A_105 = arith.subi %add3A_78, %mul3A_104 : i32
      %eq3A = arith.cmpi eq, %add3A_78, %select_n3A : i32
      %eq3A_106 = arith.constant 0 : i32
      %eq3A_107 = arith.cmpi eq, %sub3A_105, %eq3A_106 : i32
      %or3A = arith.ori %eq3A, %eq3A_107 : i1
      %convert_element_type3A = arith.extui %or3A : i1 to i32
      %cond3A = arith.constant 0 : i32
      %cond3A_108 = arith.cmpi ne, %convert_element_type3A, %cond3A : i32
      scf.if %cond3A_108 {
        "tpu.region"() ({
          %run_scoped3A = tpu.sem_alloc : memref<!tpu.dma_semaphore, #tpu.memory_space<semaphore_mem>>
          %dma_start3A = arith.constant 0 : i32
          %dma_start3A_118 = tpu.memref_slice %arg4[%select_n3A_102, %dma_start3A] : memref<26x16384xi32, #tpu.memory_space<hbm>> -> memref<1x16384xi32, #tpu.memory_space<hbm>>
          %dma_start3A_119 = tpu.memref_squeeze %dma_start3A_118 : memref<1x16384xi32, #tpu.memory_space<hbm>> -> memref<16384xi32, #tpu.memory_space<hbm>>
          %dma_start3A_120 = arith.constant 0 : i32
          %dma_start3A_121 = tpu.memref_slice %arg4[%select_n3A_102, %dma_start3A_120] : memref<26x16384xi32, #tpu.memory_space<hbm>> -> memref<1x16384xi32, #tpu.memory_space<hbm>>
          %dma_start3A_122 = tpu.memref_squeeze %dma_start3A_121 : memref<1x16384xi32, #tpu.memory_space<hbm>> -> memref<16384xi32, #tpu.memory_space<hbm>>
          tpu.enqueue_dma source(%dma_start3A_122 : memref<16384xi32, #tpu.memory_space<hbm>>) target(%arg8 : memref<16384xi32, #tpu.memory_space<vmem>>) target_semaphore(%run_scoped3A : memref<!tpu.dma_semaphore, #tpu.memory_space<semaphore_mem>>)
          %dma_wait3A_123 = arith.constant 0 : i32
          %dma_wait3A_124 = tpu.memref_slice %arg4[%select_n3A_102, %dma_wait3A_123] : memref<26x16384xi32, #tpu.memory_space<hbm>> -> memref<1x16384xi32, #tpu.memory_space<hbm>>
          %dma_wait3A_125 = tpu.memref_squeeze %dma_wait3A_124 : memref<1x16384xi32, #tpu.memory_space<hbm>> -> memref<16384xi32, #tpu.memory_space<hbm>>
          %dma_wait3A_126 = arith.constant 0 : i32
          %dma_wait3A_127 = tpu.memref_slice %arg4[%select_n3A_102, %dma_wait3A_126] : memref<26x16384xi32, #tpu.memory_space<hbm>> -> memref<1x16384xi32, #tpu.memory_space<hbm>>
          %dma_wait3A_128 = tpu.memref_squeeze %dma_wait3A_127 : memref<1x16384xi32, #tpu.memory_space<hbm>> -> memref<16384xi32, #tpu.memory_space<hbm>>
          tpu.wait_dma2 semaphore(%run_scoped3A : memref<!tpu.dma_semaphore, #tpu.memory_space<semaphore_mem>>) src(%dma_wait3A_128 : memref<16384xi32, #tpu.memory_space<hbm>>) dst(%arg8 : memref<16384xi32, #tpu.memory_space<vmem>>)
          tpu.yield
        }) : () -> ()
      } else {
      }
      %lt3A = arith.constant 16 : i32
      %lt3A_109 = arith.cmpi slt, %sub3A_105, %lt3A : i32
      %convert_element_type3A_110 = arith.extui %lt3A_109 : i1 to i32
      %cond3A_111 = arith.constant 0 : i32
      %cond3A_112 = arith.cmpi ne, %convert_element_type3A_110, %cond3A_111 : i32
      scf.if %cond3A_112 {
        %mul3A_118 = arith.constant 16 : i32
        %mul3A_119 = arith.muli %select_n3A_102, %mul3A_118 : i32
        %add3A_120 = arith.addi %mul3A_119, %sub3A_105 : i32
        "tpu.region"() ({
          %run_scoped3A = tpu.sem_alloc : memref<!tpu.dma_semaphore, #tpu.memory_space<semaphore_mem>>
          %dma_start3A = arith.constant 0 : i32
          %dma_start3A_128 = tpu.memref_slice %arg2[%add3A_120, %dma_start3A] : memref<416x100000xf32, #tpu.memory_space<hbm>> -> memref<1x100000xf32, #tpu.memory_space<hbm>>
          %dma_start3A_129 = tpu.memref_squeeze %dma_start3A_128 : memref<1x100000xf32, #tpu.memory_space<hbm>> -> memref<100000xf32, #tpu.memory_space<hbm>>
          %dma_start3A_130 = arith.constant 0 : i32
          %dma_start3A_131 = tpu.memref_slice %arg2[%add3A_120, %dma_start3A_130] : memref<416x100000xf32, #tpu.memory_space<hbm>> -> memref<1x100000xf32, #tpu.memory_space<hbm>>
          %dma_start3A_132 = tpu.memref_squeeze %dma_start3A_131 : memref<1x100000xf32, #tpu.memory_space<hbm>> -> memref<100000xf32, #tpu.memory_space<hbm>>
          tpu.enqueue_dma source(%dma_start3A_132 : memref<100000xf32, #tpu.memory_space<hbm>>) target(%arg7 : memref<100000xf32, #tpu.memory_space<vmem>>) target_semaphore(%run_scoped3A : memref<!tpu.dma_semaphore, #tpu.memory_space<semaphore_mem>>)
          %dma_wait3A_133 = arith.constant 0 : i32
          %dma_wait3A_134 = tpu.memref_slice %arg2[%add3A_120, %dma_wait3A_133] : memref<416x100000xf32, #tpu.memory_space<hbm>> -> memref<1x100000xf32, #tpu.memory_space<hbm>>
          %dma_wait3A_135 = tpu.memref_squeeze %dma_wait3A_134 : memref<1x100000xf32, #tpu.memory_space<hbm>> -> memref<100000xf32, #tpu.memory_space<hbm>>
          %dma_wait3A_136 = arith.constant 0 : i32
          %dma_wait3A_137 = tpu.memref_slice %arg2[%add3A_120, %dma_wait3A_136] : memref<416x100000xf32, #tpu.memory_space<hbm>> -> memref<1x100000xf32, #tpu.memory_space<hbm>>
          %dma_wait3A_138 = tpu.memref_squeeze %dma_wait3A_137 : memref<1x100000xf32, #tpu.memory_space<hbm>> -> memref<100000xf32, #tpu.memory_space<hbm>>
          tpu.wait_dma2 semaphore(%run_scoped3A : memref<!tpu.dma_semaphore, #tpu.memory_space<semaphore_mem>>) src(%dma_wait3A_138 : memref<100000xf32, #tpu.memory_space<hbm>>) dst(%arg7 : memref<100000xf32, #tpu.memory_space<vmem>>)
          tpu.yield
        }) : () -> ()
        %mul3A_121 = arith.constant 16 : i32
        %mul3A_122 = arith.muli %select_n3A_102, %mul3A_121 : i32
        %add3A_123 = arith.addi %mul3A_122, %sub3A_105 : i32
        %scan3A = arith.constant 0 : i32
        %scan3A_124 = arith.constant 4 : i32
        %scan3A_125 = arith.addi %scan3A, %scan3A_124 : i32
        %scan3A_126 = arith.constant 1 : i32
        scf.for %scan3A_128 = %scan3A to %scan3A_125 step %scan3A_126  : i32 {
          %mul3A_129 = arith.constant 2 : i32
          %mul3A_130 = arith.muli %scan3A_128, %mul3A_129 : i32
          %add3A_131 = arith.constant 0 : i32
          %add3A_132 = arith.addi %add3A_131, %mul3A_130 : i32
          %gt3A = arith.constant 0 : i32
          %gt3A_133 = arith.cmpi sgt, %add3A_132, %gt3A : i32
          %not3A = arith.constant true
          %not3A_134 = arith.xori %eq3A, %not3A : i1
          %or3A_135 = arith.ori %gt3A_133, %not3A_134 : i1
          %convert_element_type3A_136 = arith.extui %or3A_135 : i1 to i32
          %cond3A_137 = arith.constant 0 : i32
          %cond3A_138 = arith.cmpi ne, %convert_element_type3A_136, %cond3A_137 : i32
          scf.if %cond3A_138 {
            %dma_wait3A_166 = arith.constant 0 : i32
            %dma_wait3A_167 = tpu.memref_slice %arg5[%add3A_123, %dma_wait3A_166] : memref<416x16384xf32, #tpu.memory_space<hbm>> -> memref<1x2048xf32, #tpu.memory_space<hbm>>
            %dma_wait3A_168 = tpu.memref_squeeze %dma_wait3A_167 : memref<1x2048xf32, #tpu.memory_space<hbm>> -> memref<2048xf32, #tpu.memory_space<hbm>>
            %dma_wait3A_169 = arith.constant 0 : i32
            %dma_wait3A_170 = tpu.memref_slice %arg5[%add3A_123, %dma_wait3A_169] : memref<416x16384xf32, #tpu.memory_space<hbm>> -> memref<1x2048xf32, #tpu.memory_space<hbm>>
            %dma_wait3A_171 = tpu.memref_squeeze %dma_wait3A_170 : memref<1x2048xf32, #tpu.memory_space<hbm>> -> memref<2048xf32, #tpu.memory_space<hbm>>
            tpu.wait_dma2 semaphore(%arg11 : memref<!tpu.dma_semaphore, #tpu.memory_space<semaphore_mem>>) src(%arg9 : memref<2048xf32, #tpu.memory_space<vmem>>) dst(%dma_wait3A_171 : memref<2048xf32, #tpu.memory_space<hbm>>)
          } else {
          }
          %mul3A_139 = arith.constant 2048 : i32
          %mul3A_140 = arith.muli %add3A_132, %mul3A_139 : i32
          %parallel_loop3A = arith.constant 0 : i32
          %parallel_loop3A_141 = arith.constant 2048 : i32
          %parallel_loop3A_142 = arith.constant 16 : i32
          scf.for %parallel_loop3A_166 = %parallel_loop3A to %parallel_loop3A_141 step %parallel_loop3A_142  : i32 {
            %parallel_loop3A_167 = arith.addi %mul3A_140, %parallel_loop3A_166 : i32
            %parallel_loop3A_168 = arith.index_cast %parallel_loop3A_167 : i32 to index
            %parallel_loop3A_169 = tpu.vector_load %arg8[%parallel_loop3A_168] {strides = array<i32>} : memref<16384xi32, #tpu.memory_space<vmem>>, vector<16xi32>,
            %parallel_loop3A_170 = tpu.vector_load_idx %arg7[%parallel_loop3A_169] : memref<100000xf32, #tpu.memory_space<vmem>>[vector<16xi32>], vector<16xf32>,
            %parallel_loop3A_171 = arith.index_cast %parallel_loop3A_166 : i32 to index
            %parallel_loop3A_172 = tpu.vector_load %arg9[%parallel_loop3A_171] {strides = array<i32>} : memref<2048xf32, #tpu.memory_space<vmem>>, vector<16xf32>,
            tpu.vector_store %arg9[%parallel_loop3A_171], %parallel_loop3A_170 {strides = array<i32>} : memref<2048xf32, #tpu.memory_space<vmem>>, vector<16xf32>,
          } {sc.loop_unroll_factor = 8 : i64, sc.parallel_access}
          %mul3A_143 = arith.constant 2048 : i32
          %mul3A_144 = arith.muli %add3A_132, %mul3A_143 : i32
          %dma_start3A = tpu.memref_slice %arg5[%add3A_123, %mul3A_144] : memref<416x16384xf32, #tpu.memory_space<hbm>> -> memref<1x2048xf32, #tpu.memory_space<hbm>>
          %dma_start3A_145 = tpu.memref_squeeze %dma_start3A : memref<1x2048xf32, #tpu.memory_space<hbm>> -> memref<2048xf32, #tpu.memory_space<hbm>>
          %dma_start3A_146 = tpu.memref_slice %arg5[%add3A_123, %mul3A_144] : memref<416x16384xf32, #tpu.memory_space<hbm>> -> memref<1x2048xf32, #tpu.memory_space<hbm>>
          %dma_start3A_147 = tpu.memref_squeeze %dma_start3A_146 : memref<1x2048xf32, #tpu.memory_space<hbm>> -> memref<2048xf32, #tpu.memory_space<hbm>>
          tpu.enqueue_dma source(%arg9 : memref<2048xf32, #tpu.memory_space<vmem>>) target(%dma_start3A_147 : memref<2048xf32, #tpu.memory_space<hbm>>) target_semaphore(%arg11 : memref<!tpu.dma_semaphore, #tpu.memory_space<semaphore_mem>>)
          %convert_element_type3A_148 = arith.extui %or3A_135 : i1 to i32
          %cond3A_149 = arith.constant 0 : i32
          %cond3A_150 = arith.cmpi ne, %convert_element_type3A_148, %cond3A_149 : i32
          scf.if %cond3A_150 {
            %dma_wait3A_166 = arith.constant 0 : i32
            %dma_wait3A_167 = tpu.memref_slice %arg5[%add3A_123, %dma_wait3A_166] : memref<416x16384xf32, #tpu.memory_space<hbm>> -> memref<1x2048xf32, #tpu.memory_space<hbm>>
            %dma_wait3A_168 = tpu.memref_squeeze %dma_wait3A_167 : memref<1x2048xf32, #tpu.memory_space<hbm>> -> memref<2048xf32, #tpu.memory_space<hbm>>
            %dma_wait3A_169 = arith.constant 0 : i32
            %dma_wait3A_170 = tpu.memref_slice %arg5[%add3A_123, %dma_wait3A_169] : memref<416x16384xf32, #tpu.memory_space<hbm>> -> memref<1x2048xf32, #tpu.memory_space<hbm>>
            %dma_wait3A_171 = tpu.memref_squeeze %dma_wait3A_170 : memref<1x2048xf32, #tpu.memory_space<hbm>> -> memref<2048xf32, #tpu.memory_space<hbm>>
            tpu.wait_dma2 semaphore(%arg12 : memref<!tpu.dma_semaphore, #tpu.memory_space<semaphore_mem>>) src(%arg10 : memref<2048xf32, #tpu.memory_space<vmem>>) dst(%dma_wait3A_171 : memref<2048xf32, #tpu.memory_space<hbm>>)
          } else {
          }
          %add3A_151 = arith.constant 1 : i32
          %add3A_152 = arith.addi %add3A_132, %add3A_151 : i32
          %mul3A_153 = arith.constant 2048 : i32
          %mul3A_154 = arith.muli %add3A_152, %mul3A_153 : i32
          %parallel_loop3A_155 = arith.constant 0 : i32
          %parallel_loop3A_156 = arith.constant 2048 : i32
          %parallel_loop3A_157 = arith.constant 16 : i32
          scf.for %parallel_loop3A_166 = %parallel_loop3A_155 to %parallel_loop3A_156 step %parallel_loop3A_157  : i32 {
            %parallel_loop3A_167 = arith.addi %mul3A_154, %parallel_loop3A_166 : i32
            %parallel_loop3A_168 = arith.index_cast %parallel_loop3A_167 : i32 to index
            %parallel_loop3A_169 = tpu.vector_load %arg8[%parallel_loop3A_168] {strides = array<i32>} : memref<16384xi32, #tpu.memory_space<vmem>>, vector<16xi32>,
            %parallel_loop3A_170 = tpu.vector_load_idx %arg7[%parallel_loop3A_169] : memref<100000xf32, #tpu.memory_space<vmem>>[vector<16xi32>], vector<16xf32>,
            %parallel_loop3A_171 = arith.index_cast %parallel_loop3A_166 : i32 to index
            %parallel_loop3A_172 = tpu.vector_load %arg10[%parallel_loop3A_171] {strides = array<i32>} : memref<2048xf32, #tpu.memory_space<vmem>>, vector<16xf32>,
            tpu.vector_store %arg10[%parallel_loop3A_171], %parallel_loop3A_170 {strides = array<i32>} : memref<2048xf32, #tpu.memory_space<vmem>>, vector<16xf32>,
          } {sc.loop_unroll_factor = 8 : i64, sc.parallel_access}
          %add3A_158 = arith.constant 1 : i32
          %add3A_159 = arith.addi %add3A_132, %add3A_158 : i32
          %mul3A_160 = arith.constant 2048 : i32
          %mul3A_161 = arith.muli %add3A_159, %mul3A_160 : i32
          %dma_start3A_162 = tpu.memref_slice %arg5[%add3A_123, %mul3A_161] : memref<416x16384xf32, #tpu.memory_space<hbm>> -> memref<1x2048xf32, #tpu.memory_space<hbm>>
          %dma_start3A_163 = tpu.memref_squeeze %dma_start3A_162 : memref<1x2048xf32, #tpu.memory_space<hbm>> -> memref<2048xf32, #tpu.memory_space<hbm>>
          %dma_start3A_164 = tpu.memref_slice %arg5[%add3A_123, %mul3A_161] : memref<416x16384xf32, #tpu.memory_space<hbm>> -> memref<1x2048xf32, #tpu.memory_space<hbm>>
          %dma_start3A_165 = tpu.memref_squeeze %dma_start3A_164 : memref<1x2048xf32, #tpu.memory_space<hbm>> -> memref<2048xf32, #tpu.memory_space<hbm>>
          tpu.enqueue_dma source(%arg10 : memref<2048xf32, #tpu.memory_space<vmem>>) target(%dma_start3A_165 : memref<2048xf32, #tpu.memory_space<hbm>>) target_semaphore(%arg12 : memref<!tpu.dma_semaphore, #tpu.memory_space<semaphore_mem>>)
        }
        %scan3A_127 = arith.constant 4 : i32
      } else {
      }
      %eq3A_113 = arith.constant 16 : i32
      %eq3A_114 = arith.cmpi eq, %sub3A_105, %eq3A_113 : i32
      %convert_element_type3A_115 = arith.extui %eq3A_114 : i1 to i32
      %cond3A_116 = arith.constant 0 : i32
      %cond3A_117 = arith.cmpi ne, %convert_element_type3A_115, %cond3A_116 : i32
      scf.if %cond3A_117 {
        "tpu.region"() ({
          %run_scoped3A = tpu.sem_alloc : memref<!tpu.dma_semaphore, #tpu.memory_space<semaphore_mem>>
          %dma_start3A = arith.constant 0 : i32
          %dma_start3A_122 = tpu.memref_slice %arg3[%select_n3A_102, %dma_start3A] : memref<26x100000xf32, #tpu.memory_space<hbm>> -> memref<1x100000xf32, #tpu.memory_space<hbm>>
          %dma_start3A_123 = tpu.memref_squeeze %dma_start3A_122 : memref<1x100000xf32, #tpu.memory_space<hbm>> -> memref<100000xf32, #tpu.memory_space<hbm>>
          %dma_start3A_124 = arith.constant 0 : i32
          %dma_start3A_125 = tpu.memref_slice %arg3[%select_n3A_102, %dma_start3A_124] : memref<26x100000xf32, #tpu.memory_space<hbm>> -> memref<1x100000xf32, #tpu.memory_space<hbm>>
          %dma_start3A_126 = tpu.memref_squeeze %dma_start3A_125 : memref<1x100000xf32, #tpu.memory_space<hbm>> -> memref<100000xf32, #tpu.memory_space<hbm>>
          tpu.enqueue_dma source(%dma_start3A_126 : memref<100000xf32, #tpu.memory_space<hbm>>) target(%arg7 : memref<100000xf32, #tpu.memory_space<vmem>>) target_semaphore(%run_scoped3A : memref<!tpu.dma_semaphore, #tpu.memory_space<semaphore_mem>>)
          %dma_wait3A_127 = arith.constant 0 : i32
          %dma_wait3A_128 = tpu.memref_slice %arg3[%select_n3A_102, %dma_wait3A_127] : memref<26x100000xf32, #tpu.memory_space<hbm>> -> memref<1x100000xf32, #tpu.memory_space<hbm>>
          %dma_wait3A_129 = tpu.memref_squeeze %dma_wait3A_128 : memref<1x100000xf32, #tpu.memory_space<hbm>> -> memref<100000xf32, #tpu.memory_space<hbm>>
          %dma_wait3A_130 = arith.constant 0 : i32
          %dma_wait3A_131 = tpu.memref_slice %arg3[%select_n3A_102, %dma_wait3A_130] : memref<26x100000xf32, #tpu.memory_space<hbm>> -> memref<1x100000xf32, #tpu.memory_space<hbm>>
          %dma_wait3A_132 = tpu.memref_squeeze %dma_wait3A_131 : memref<1x100000xf32, #tpu.memory_space<hbm>> -> memref<100000xf32, #tpu.memory_space<hbm>>
          tpu.wait_dma2 semaphore(%run_scoped3A : memref<!tpu.dma_semaphore, #tpu.memory_space<semaphore_mem>>) src(%dma_wait3A_132 : memref<100000xf32, #tpu.memory_space<hbm>>) dst(%arg7 : memref<100000xf32, #tpu.memory_space<vmem>>)
          tpu.yield
        }) : () -> ()
        %scan3A = arith.constant 0 : i32
        %scan3A_118 = arith.constant 4 : i32
        %scan3A_119 = arith.addi %scan3A, %scan3A_118 : i32
        %scan3A_120 = arith.constant 1 : i32
        scf.for %scan3A_122 = %scan3A to %scan3A_119 step %scan3A_120  : i32 {
          %mul3A_123 = arith.constant 2 : i32
          %mul3A_124 = arith.muli %scan3A_122, %mul3A_123 : i32
          %add3A_125 = arith.constant 0 : i32
          %add3A_126 = arith.addi %add3A_125, %mul3A_124 : i32
          %gt3A = arith.constant 0 : i32
          %gt3A_127 = arith.cmpi sgt, %add3A_126, %gt3A : i32
          %not3A = arith.constant true
          %not3A_128 = arith.xori %eq3A, %not3A : i1
          %or3A_129 = arith.ori %gt3A_127, %not3A_128 : i1
          %convert_element_type3A_130 = arith.extui %or3A_129 : i1 to i32
          %cond3A_131 = arith.constant 0 : i32
          %cond3A_132 = arith.cmpi ne, %convert_element_type3A_130, %cond3A_131 : i32
          scf.if %cond3A_132 {
            %dma_wait3A_160 = arith.constant 0 : i32
            %dma_wait3A_161 = tpu.memref_slice %arg6[%select_n3A_102, %dma_wait3A_160] : memref<26x16384xf32, #tpu.memory_space<hbm>> -> memref<1x2048xf32, #tpu.memory_space<hbm>>
            %dma_wait3A_162 = tpu.memref_squeeze %dma_wait3A_161 : memref<1x2048xf32, #tpu.memory_space<hbm>> -> memref<2048xf32, #tpu.memory_space<hbm>>
            %dma_wait3A_163 = arith.constant 0 : i32
            %dma_wait3A_164 = tpu.memref_slice %arg6[%select_n3A_102, %dma_wait3A_163] : memref<26x16384xf32, #tpu.memory_space<hbm>> -> memref<1x2048xf32, #tpu.memory_space<hbm>>
            %dma_wait3A_165 = tpu.memref_squeeze %dma_wait3A_164 : memref<1x2048xf32, #tpu.memory_space<hbm>> -> memref<2048xf32, #tpu.memory_space<hbm>>
            tpu.wait_dma2 semaphore(%arg11 : memref<!tpu.dma_semaphore, #tpu.memory_space<semaphore_mem>>) src(%arg9 : memref<2048xf32, #tpu.memory_space<vmem>>) dst(%dma_wait3A_165 : memref<2048xf32, #tpu.memory_space<hbm>>)
          } else {
          }
          %mul3A_133 = arith.constant 2048 : i32
          %mul3A_134 = arith.muli %add3A_126, %mul3A_133 : i32
          %parallel_loop3A = arith.constant 0 : i32
          %parallel_loop3A_135 = arith.constant 2048 : i32
          %parallel_loop3A_136 = arith.constant 16 : i32
          scf.for %parallel_loop3A_160 = %parallel_loop3A to %parallel_loop3A_135 step %parallel_loop3A_136  : i32 {
            %parallel_loop3A_161 = arith.addi %mul3A_134, %parallel_loop3A_160 : i32
            %parallel_loop3A_162 = arith.index_cast %parallel_loop3A_161 : i32 to index
            %parallel_loop3A_163 = tpu.vector_load %arg8[%parallel_loop3A_162] {strides = array<i32>} : memref<16384xi32, #tpu.memory_space<vmem>>, vector<16xi32>,
            %parallel_loop3A_164 = tpu.vector_load_idx %arg7[%parallel_loop3A_163] : memref<100000xf32, #tpu.memory_space<vmem>>[vector<16xi32>], vector<16xf32>,
            %parallel_loop3A_165 = arith.index_cast %parallel_loop3A_160 : i32 to index
            %parallel_loop3A_166 = tpu.vector_load %arg9[%parallel_loop3A_165] {strides = array<i32>} : memref<2048xf32, #tpu.memory_space<vmem>>, vector<16xf32>,
            tpu.vector_store %arg9[%parallel_loop3A_165], %parallel_loop3A_164 {strides = array<i32>} : memref<2048xf32, #tpu.memory_space<vmem>>, vector<16xf32>,
          } {sc.loop_unroll_factor = 8 : i64, sc.parallel_access}
          %mul3A_137 = arith.constant 2048 : i32
          %mul3A_138 = arith.muli %add3A_126, %mul3A_137 : i32
          %dma_start3A = tpu.memref_slice %arg6[%select_n3A_102, %mul3A_138] : memref<26x16384xf32, #tpu.memory_space<hbm>> -> memref<1x2048xf32, #tpu.memory_space<hbm>>
          %dma_start3A_139 = tpu.memref_squeeze %dma_start3A : memref<1x2048xf32, #tpu.memory_space<hbm>> -> memref<2048xf32, #tpu.memory_space<hbm>>
          %dma_start3A_140 = tpu.memref_slice %arg6[%select_n3A_102, %mul3A_138] : memref<26x16384xf32, #tpu.memory_space<hbm>> -> memref<1x2048xf32, #tpu.memory_space<hbm>>
          %dma_start3A_141 = tpu.memref_squeeze %dma_start3A_140 : memref<1x2048xf32, #tpu.memory_space<hbm>> -> memref<2048xf32, #tpu.memory_space<hbm>>
          tpu.enqueue_dma source(%arg9 : memref<2048xf32, #tpu.memory_space<vmem>>) target(%dma_start3A_141 : memref<2048xf32, #tpu.memory_space<hbm>>) target_semaphore(%arg11 : memref<!tpu.dma_semaphore, #tpu.memory_space<semaphore_mem>>)
          %convert_element_type3A_142 = arith.extui %or3A_129 : i1 to i32
          %cond3A_143 = arith.constant 0 : i32
          %cond3A_144 = arith.cmpi ne, %convert_element_type3A_142, %cond3A_143 : i32
          scf.if %cond3A_144 {
            %dma_wait3A_160 = arith.constant 0 : i32
            %dma_wait3A_161 = tpu.memref_slice %arg6[%select_n3A_102, %dma_wait3A_160] : memref<26x16384xf32, #tpu.memory_space<hbm>> -> memref<1x2048xf32, #tpu.memory_space<hbm>>
            %dma_wait3A_162 = tpu.memref_squeeze %dma_wait3A_161 : memref<1x2048xf32, #tpu.memory_space<hbm>> -> memref<2048xf32, #tpu.memory_space<hbm>>
            %dma_wait3A_163 = arith.constant 0 : i32
            %dma_wait3A_164 = tpu.memref_slice %arg6[%select_n3A_102, %dma_wait3A_163] : memref<26x16384xf32, #tpu.memory_space<hbm>> -> memref<1x2048xf32, #tpu.memory_space<hbm>>
            %dma_wait3A_165 = tpu.memref_squeeze %dma_wait3A_164 : memref<1x2048xf32, #tpu.memory_space<hbm>> -> memref<2048xf32, #tpu.memory_space<hbm>>
            tpu.wait_dma2 semaphore(%arg12 : memref<!tpu.dma_semaphore, #tpu.memory_space<semaphore_mem>>) src(%arg10 : memref<2048xf32, #tpu.memory_space<vmem>>) dst(%dma_wait3A_165 : memref<2048xf32, #tpu.memory_space<hbm>>)
          } else {
          }
          %add3A_145 = arith.constant 1 : i32
          %add3A_146 = arith.addi %add3A_126, %add3A_145 : i32
          %mul3A_147 = arith.constant 2048 : i32
          %mul3A_148 = arith.muli %add3A_146, %mul3A_147 : i32
          %parallel_loop3A_149 = arith.constant 0 : i32
          %parallel_loop3A_150 = arith.constant 2048 : i32
          %parallel_loop3A_151 = arith.constant 16 : i32
          scf.for %parallel_loop3A_160 = %parallel_loop3A_149 to %parallel_loop3A_150 step %parallel_loop3A_151  : i32 {
            %parallel_loop3A_161 = arith.addi %mul3A_148, %parallel_loop3A_160 : i32
            %parallel_loop3A_162 = arith.index_cast %parallel_loop3A_161 : i32 to index
            %parallel_loop3A_163 = tpu.vector_load %arg8[%parallel_loop3A_162] {strides = array<i32>} : memref<16384xi32, #tpu.memory_space<vmem>>, vector<16xi32>,
            %parallel_loop3A_164 = tpu.vector_load_idx %arg7[%parallel_loop3A_163] : memref<100000xf32, #tpu.memory_space<vmem>>[vector<16xi32>], vector<16xf32>,
            %parallel_loop3A_165 = arith.index_cast %parallel_loop3A_160 : i32 to index
            %parallel_loop3A_166 = tpu.vector_load %arg10[%parallel_loop3A_165] {strides = array<i32>} : memref<2048xf32, #tpu.memory_space<vmem>>, vector<16xf32>,
            tpu.vector_store %arg10[%parallel_loop3A_165], %parallel_loop3A_164 {strides = array<i32>} : memref<2048xf32, #tpu.memory_space<vmem>>, vector<16xf32>,
          } {sc.loop_unroll_factor = 8 : i64, sc.parallel_access}
          %add3A_152 = arith.constant 1 : i32
          %add3A_153 = arith.addi %add3A_126, %add3A_152 : i32
          %mul3A_154 = arith.constant 2048 : i32
          %mul3A_155 = arith.muli %add3A_153, %mul3A_154 : i32
          %dma_start3A_156 = tpu.memref_slice %arg6[%select_n3A_102, %mul3A_155] : memref<26x16384xf32, #tpu.memory_space<hbm>> -> memref<1x2048xf32, #tpu.memory_space<hbm>>
          %dma_start3A_157 = tpu.memref_squeeze %dma_start3A_156 : memref<1x2048xf32, #tpu.memory_space<hbm>> -> memref<2048xf32, #tpu.memory_space<hbm>>
          %dma_start3A_158 = tpu.memref_slice %arg6[%select_n3A_102, %mul3A_155] : memref<26x16384xf32, #tpu.memory_space<hbm>> -> memref<1x2048xf32, #tpu.memory_space<hbm>>
          %dma_start3A_159 = tpu.memref_squeeze %dma_start3A_158 : memref<1x2048xf32, #tpu.memory_space<hbm>> -> memref<2048xf32, #tpu.memory_space<hbm>>
          tpu.enqueue_dma source(%arg10 : memref<2048xf32, #tpu.memory_space<vmem>>) target(%dma_start3A_159 : memref<2048xf32, #tpu.memory_space<hbm>>) target_semaphore(%arg12 : memref<!tpu.dma_semaphore, #tpu.memory_space<semaphore_mem>>)
        }
        %scan3A_121 = arith.constant 4 : i32
      } else {
      }
    }
    %while3A_62 = arith.constant 1 : i32
    scf.for %while3A_76 = %while3A_60 to %while3A_56 step %while3A_62  : i32 {
      %mul3A_77 = arith.muli %while3A_76, %while3A : i32
      %add3A_78 = arith.addi %select_n3A, %mul3A_77 : i32
      %jit3A_79 = arith.constant 17 : i32
      %div3A_80 = arith.divsi %add3A_78, %jit3A_79 : i32
      %sign3A_81 = arith.constant 0 : i32
      %sign3A_82 = arith.cmpi sgt, %add3A_78, %sign3A_81 : i32
      %sign3A_83 = arith.extui %sign3A_82 : i1 to i32
      %sign3A_84 = arith.constant 0 : i32
      %sign3A_85 = arith.cmpi slt, %add3A_78, %sign3A_84 : i32
      %sign3A_86 = arith.extui %sign3A_85 : i1 to i32
      %sign3A_87 = arith.subi %sign3A_83, %sign3A_86 : i32
      %sign3A_88 = arith.constant 0 : i32
      %sign3A_89 = arith.cmpi sgt, %jit3A_79, %sign3A_88 : i32
      %sign3A_90 = arith.extui %sign3A_89 : i1 to i32
      %sign3A_91 = arith.constant 0 : i32
      %sign3A_92 = arith.cmpi slt, %jit3A_79, %sign3A_91 : i32
      %sign3A_93 = arith.extui %sign3A_92 : i1 to i32
      %sign3A_94 = arith.subi %sign3A_90, %sign3A_93 : i32
      %ne3A_95 = arith.cmpi ne, %sign3A_87, %sign3A_94 : i32
      %rem3A_96 = arith.remsi %add3A_78, %jit3A_79 : i32
      %ne3A_97 = arith.constant 0 : i32
      %ne3A_98 = arith.cmpi ne, %rem3A_96, %ne3A_97 : i32
      %and3A_99 = arith.andi %ne3A_95, %ne3A_98 : i1
      %sub3A_100 = arith.constant 1 : i32
      %sub3A_101 = arith.subi %div3A_80, %sub3A_100 : i32
      %select_n3A_102 = arith.select %and3A_99, %sub3A_101, %div3A_80 : i32
      %mul3A_103 = arith.constant 17 : i32
      %mul3A_104 = arith.muli %select_n3A_102, %mul3A_103 : i32
      %sub3A_105 = arith.subi %add3A_78, %mul3A_104 : i32
      %eq3A = arith.cmpi eq, %add3A_78, %select_n3A : i32
      %eq3A_106 = arith.constant 0 : i32
      %eq3A_107 = arith.cmpi eq, %sub3A_105, %eq3A_106 : i32
      %or3A = arith.ori %eq3A, %eq3A_107 : i1
      %convert_element_type3A = arith.extui %or3A : i1 to i32
      %cond3A = arith.constant 0 : i32
      %cond3A_108 = arith.cmpi ne, %convert_element_type3A, %cond3A : i32
      scf.if %cond3A_108 {
        "tpu.region"() ({
          %run_scoped3A = tpu.sem_alloc : memref<!tpu.dma_semaphore, #tpu.memory_space<semaphore_mem>>
          %dma_start3A = arith.constant 0 : i32
          %dma_start3A_118 = tpu.memref_slice %arg4[%select_n3A_102, %dma_start3A] : memref<26x16384xi32, #tpu.memory_space<hbm>> -> memref<1x16384xi32, #tpu.memory_space<hbm>>
          %dma_start3A_119 = tpu.memref_squeeze %dma_start3A_118 : memref<1x16384xi32, #tpu.memory_space<hbm>> -> memref<16384xi32, #tpu.memory_space<hbm>>
          %dma_start3A_120 = arith.constant 0 : i32
          %dma_start3A_121 = tpu.memref_slice %arg4[%select_n3A_102, %dma_start3A_120] : memref<26x16384xi32, #tpu.memory_space<hbm>> -> memref<1x16384xi32, #tpu.memory_space<hbm>>
          %dma_start3A_122 = tpu.memref_squeeze %dma_start3A_121 : memref<1x16384xi32, #tpu.memory_space<hbm>> -> memref<16384xi32, #tpu.memory_space<hbm>>
          tpu.enqueue_dma source(%dma_start3A_122 : memref<16384xi32, #tpu.memory_space<hbm>>) target(%arg8 : memref<16384xi32, #tpu.memory_space<vmem>>) target_semaphore(%run_scoped3A : memref<!tpu.dma_semaphore, #tpu.memory_space<semaphore_mem>>)
          %dma_wait3A_123 = arith.constant 0 : i32
          %dma_wait3A_124 = tpu.memref_slice %arg4[%select_n3A_102, %dma_wait3A_123] : memref<26x16384xi32, #tpu.memory_space<hbm>> -> memref<1x16384xi32, #tpu.memory_space<hbm>>
          %dma_wait3A_125 = tpu.memref_squeeze %dma_wait3A_124 : memref<1x16384xi32, #tpu.memory_space<hbm>> -> memref<16384xi32, #tpu.memory_space<hbm>>
          %dma_wait3A_126 = arith.constant 0 : i32
          %dma_wait3A_127 = tpu.memref_slice %arg4[%select_n3A_102, %dma_wait3A_126] : memref<26x16384xi32, #tpu.memory_space<hbm>> -> memref<1x16384xi32, #tpu.memory_space<hbm>>
          %dma_wait3A_128 = tpu.memref_squeeze %dma_wait3A_127 : memref<1x16384xi32, #tpu.memory_space<hbm>> -> memref<16384xi32, #tpu.memory_space<hbm>>
          tpu.wait_dma2 semaphore(%run_scoped3A : memref<!tpu.dma_semaphore, #tpu.memory_space<semaphore_mem>>) src(%dma_wait3A_128 : memref<16384xi32, #tpu.memory_space<hbm>>) dst(%arg8 : memref<16384xi32, #tpu.memory_space<vmem>>)
          tpu.yield
        }) : () -> ()
      } else {
      }
      %lt3A = arith.constant 16 : i32
      %lt3A_109 = arith.cmpi slt, %sub3A_105, %lt3A : i32
      %convert_element_type3A_110 = arith.extui %lt3A_109 : i1 to i32
      %cond3A_111 = arith.constant 0 : i32
      %cond3A_112 = arith.cmpi ne, %convert_element_type3A_110, %cond3A_111 : i32
      scf.if %cond3A_112 {
        %mul3A_118 = arith.constant 16 : i32
        %mul3A_119 = arith.muli %select_n3A_102, %mul3A_118 : i32
        %add3A_120 = arith.addi %mul3A_119, %sub3A_105 : i32
        "tpu.region"() ({
          %run_scoped3A = tpu.sem_alloc : memref<!tpu.dma_semaphore, #tpu.memory_space<semaphore_mem>>
          %dma_start3A = arith.constant 0 : i32
          %dma_start3A_128 = tpu.memref_slice %arg2[%add3A_120, %dma_start3A] : memref<416x100000xf32, #tpu.memory_space<hbm>> -> memref<1x100000xf32, #tpu.memory_space<hbm>>
          %dma_start3A_129 = tpu.memref_squeeze %dma_start3A_128 : memref<1x100000xf32, #tpu.memory_space<hbm>> -> memref<100000xf32, #tpu.memory_space<hbm>>
          %dma_start3A_130 = arith.constant 0 : i32
          %dma_start3A_131 = tpu.memref_slice %arg2[%add3A_120, %dma_start3A_130] : memref<416x100000xf32, #tpu.memory_space<hbm>> -> memref<1x100000xf32, #tpu.memory_space<hbm>>
          %dma_start3A_132 = tpu.memref_squeeze %dma_start3A_131 : memref<1x100000xf32, #tpu.memory_space<hbm>> -> memref<100000xf32, #tpu.memory_space<hbm>>
          tpu.enqueue_dma source(%dma_start3A_132 : memref<100000xf32, #tpu.memory_space<hbm>>) target(%arg7 : memref<100000xf32, #tpu.memory_space<vmem>>) target_semaphore(%run_scoped3A : memref<!tpu.dma_semaphore, #tpu.memory_space<semaphore_mem>>)
          %dma_wait3A_133 = arith.constant 0 : i32
          %dma_wait3A_134 = tpu.memref_slice %arg2[%add3A_120, %dma_wait3A_133] : memref<416x100000xf32, #tpu.memory_space<hbm>> -> memref<1x100000xf32, #tpu.memory_space<hbm>>
          %dma_wait3A_135 = tpu.memref_squeeze %dma_wait3A_134 : memref<1x100000xf32, #tpu.memory_space<hbm>> -> memref<100000xf32, #tpu.memory_space<hbm>>
          %dma_wait3A_136 = arith.constant 0 : i32
          %dma_wait3A_137 = tpu.memref_slice %arg2[%add3A_120, %dma_wait3A_136] : memref<416x100000xf32, #tpu.memory_space<hbm>> -> memref<1x100000xf32, #tpu.memory_space<hbm>>
          %dma_wait3A_138 = tpu.memref_squeeze %dma_wait3A_137 : memref<1x100000xf32, #tpu.memory_space<hbm>> -> memref<100000xf32, #tpu.memory_space<hbm>>
          tpu.wait_dma2 semaphore(%run_scoped3A : memref<!tpu.dma_semaphore, #tpu.memory_space<semaphore_mem>>) src(%dma_wait3A_138 : memref<100000xf32, #tpu.memory_space<hbm>>) dst(%arg7 : memref<100000xf32, #tpu.memory_space<vmem>>)
          tpu.yield
        }) : () -> ()
        %mul3A_121 = arith.constant 16 : i32
        %mul3A_122 = arith.muli %select_n3A_102, %mul3A_121 : i32
        %add3A_123 = arith.addi %mul3A_122, %sub3A_105 : i32
        %scan3A = arith.constant 0 : i32
        %scan3A_124 = arith.constant 4 : i32
        %scan3A_125 = arith.addi %scan3A, %scan3A_124 : i32
        %scan3A_126 = arith.constant 1 : i32
        scf.for %scan3A_128 = %scan3A to %scan3A_125 step %scan3A_126  : i32 {
          %mul3A_129 = arith.constant 2 : i32
          %mul3A_130 = arith.muli %scan3A_128, %mul3A_129 : i32
          %add3A_131 = arith.constant 0 : i32
          %add3A_132 = arith.addi %add3A_131, %mul3A_130 : i32
          %gt3A = arith.constant 0 : i32
          %gt3A_133 = arith.cmpi sgt, %add3A_132, %gt3A : i32
          %not3A = arith.constant true
          %not3A_134 = arith.xori %eq3A, %not3A : i1
          %or3A_135 = arith.ori %gt3A_133, %not3A_134 : i1
          %convert_element_type3A_136 = arith.extui %or3A_135 : i1 to i32
          %cond3A_137 = arith.constant 0 : i32
          %cond3A_138 = arith.cmpi ne, %convert_element_type3A_136, %cond3A_137 : i32
          scf.if %cond3A_138 {
            %dma_wait3A_166 = arith.constant 0 : i32
            %dma_wait3A_167 = tpu.memref_slice %arg5[%add3A_123, %dma_wait3A_166] : memref<416x16384xf32, #tpu.memory_space<hbm>> -> memref<1x2048xf32, #tpu.memory_space<hbm>>
            %dma_wait3A_168 = tpu.memref_squeeze %dma_wait3A_167 : memref<1x2048xf32, #tpu.memory_space<hbm>> -> memref<2048xf32, #tpu.memory_space<hbm>>
            %dma_wait3A_169 = arith.constant 0 : i32
            %dma_wait3A_170 = tpu.memref_slice %arg5[%add3A_123, %dma_wait3A_169] : memref<416x16384xf32, #tpu.memory_space<hbm>> -> memref<1x2048xf32, #tpu.memory_space<hbm>>
            %dma_wait3A_171 = tpu.memref_squeeze %dma_wait3A_170 : memref<1x2048xf32, #tpu.memory_space<hbm>> -> memref<2048xf32, #tpu.memory_space<hbm>>
            tpu.wait_dma2 semaphore(%arg11 : memref<!tpu.dma_semaphore, #tpu.memory_space<semaphore_mem>>) src(%arg9 : memref<2048xf32, #tpu.memory_space<vmem>>) dst(%dma_wait3A_171 : memref<2048xf32, #tpu.memory_space<hbm>>)
          } else {
          }
          %mul3A_139 = arith.constant 2048 : i32
          %mul3A_140 = arith.muli %add3A_132, %mul3A_139 : i32
          %parallel_loop3A = arith.constant 0 : i32
          %parallel_loop3A_141 = arith.constant 2048 : i32
          %parallel_loop3A_142 = arith.constant 16 : i32
          scf.for %parallel_loop3A_166 = %parallel_loop3A to %parallel_loop3A_141 step %parallel_loop3A_142  : i32 {
            %parallel_loop3A_167 = arith.addi %mul3A_140, %parallel_loop3A_166 : i32
            %parallel_loop3A_168 = arith.index_cast %parallel_loop3A_167 : i32 to index
            %parallel_loop3A_169 = tpu.vector_load %arg8[%parallel_loop3A_168] {strides = array<i32>} : memref<16384xi32, #tpu.memory_space<vmem>>, vector<16xi32>,
            %parallel_loop3A_170 = tpu.vector_load_idx %arg7[%parallel_loop3A_169] : memref<100000xf32, #tpu.memory_space<vmem>>[vector<16xi32>], vector<16xf32>,
            %parallel_loop3A_171 = arith.index_cast %parallel_loop3A_166 : i32 to index
            %parallel_loop3A_172 = tpu.vector_load %arg9[%parallel_loop3A_171] {strides = array<i32>} : memref<2048xf32, #tpu.memory_space<vmem>>, vector<16xf32>,
            tpu.vector_store %arg9[%parallel_loop3A_171], %parallel_loop3A_170 {strides = array<i32>} : memref<2048xf32, #tpu.memory_space<vmem>>, vector<16xf32>,
          } {sc.loop_unroll_factor = 8 : i64, sc.parallel_access}
          %mul3A_143 = arith.constant 2048 : i32
          %mul3A_144 = arith.muli %add3A_132, %mul3A_143 : i32
          %dma_start3A = tpu.memref_slice %arg5[%add3A_123, %mul3A_144] : memref<416x16384xf32, #tpu.memory_space<hbm>> -> memref<1x2048xf32, #tpu.memory_space<hbm>>
          %dma_start3A_145 = tpu.memref_squeeze %dma_start3A : memref<1x2048xf32, #tpu.memory_space<hbm>> -> memref<2048xf32, #tpu.memory_space<hbm>>
          %dma_start3A_146 = tpu.memref_slice %arg5[%add3A_123, %mul3A_144] : memref<416x16384xf32, #tpu.memory_space<hbm>> -> memref<1x2048xf32, #tpu.memory_space<hbm>>
          %dma_start3A_147 = tpu.memref_squeeze %dma_start3A_146 : memref<1x2048xf32, #tpu.memory_space<hbm>> -> memref<2048xf32, #tpu.memory_space<hbm>>
          tpu.enqueue_dma source(%arg9 : memref<2048xf32, #tpu.memory_space<vmem>>) target(%dma_start3A_147 : memref<2048xf32, #tpu.memory_space<hbm>>) target_semaphore(%arg11 : memref<!tpu.dma_semaphore, #tpu.memory_space<semaphore_mem>>)
          %convert_element_type3A_148 = arith.extui %or3A_135 : i1 to i32
          %cond3A_149 = arith.constant 0 : i32
          %cond3A_150 = arith.cmpi ne, %convert_element_type3A_148, %cond3A_149 : i32
          scf.if %cond3A_150 {
            %dma_wait3A_166 = arith.constant 0 : i32
            %dma_wait3A_167 = tpu.memref_slice %arg5[%add3A_123, %dma_wait3A_166] : memref<416x16384xf32, #tpu.memory_space<hbm>> -> memref<1x2048xf32, #tpu.memory_space<hbm>>
            %dma_wait3A_168 = tpu.memref_squeeze %dma_wait3A_167 : memref<1x2048xf32, #tpu.memory_space<hbm>> -> memref<2048xf32, #tpu.memory_space<hbm>>
            %dma_wait3A_169 = arith.constant 0 : i32
            %dma_wait3A_170 = tpu.memref_slice %arg5[%add3A_123, %dma_wait3A_169] : memref<416x16384xf32, #tpu.memory_space<hbm>> -> memref<1x2048xf32, #tpu.memory_space<hbm>>
            %dma_wait3A_171 = tpu.memref_squeeze %dma_wait3A_170 : memref<1x2048xf32, #tpu.memory_space<hbm>> -> memref<2048xf32, #tpu.memory_space<hbm>>
            tpu.wait_dma2 semaphore(%arg12 : memref<!tpu.dma_semaphore, #tpu.memory_space<semaphore_mem>>) src(%arg10 : memref<2048xf32, #tpu.memory_space<vmem>>) dst(%dma_wait3A_171 : memref<2048xf32, #tpu.memory_space<hbm>>)
          } else {
          }
          %add3A_151 = arith.constant 1 : i32
          %add3A_152 = arith.addi %add3A_132, %add3A_151 : i32
          %mul3A_153 = arith.constant 2048 : i32
          %mul3A_154 = arith.muli %add3A_152, %mul3A_153 : i32
          %parallel_loop3A_155 = arith.constant 0 : i32
          %parallel_loop3A_156 = arith.constant 2048 : i32
          %parallel_loop3A_157 = arith.constant 16 : i32
          scf.for %parallel_loop3A_166 = %parallel_loop3A_155 to %parallel_loop3A_156 step %parallel_loop3A_157  : i32 {
            %parallel_loop3A_167 = arith.addi %mul3A_154, %parallel_loop3A_166 : i32
            %parallel_loop3A_168 = arith.index_cast %parallel_loop3A_167 : i32 to index
            %parallel_loop3A_169 = tpu.vector_load %arg8[%parallel_loop3A_168] {strides = array<i32>} : memref<16384xi32, #tpu.memory_space<vmem>>, vector<16xi32>,
            %parallel_loop3A_170 = tpu.vector_load_idx %arg7[%parallel_loop3A_169] : memref<100000xf32, #tpu.memory_space<vmem>>[vector<16xi32>], vector<16xf32>,
            %parallel_loop3A_171 = arith.index_cast %parallel_loop3A_166 : i32 to index
            %parallel_loop3A_172 = tpu.vector_load %arg10[%parallel_loop3A_171] {strides = array<i32>} : memref<2048xf32, #tpu.memory_space<vmem>>, vector<16xf32>,
            tpu.vector_store %arg10[%parallel_loop3A_171], %parallel_loop3A_170 {strides = array<i32>} : memref<2048xf32, #tpu.memory_space<vmem>>, vector<16xf32>,
          } {sc.loop_unroll_factor = 8 : i64, sc.parallel_access}
          %add3A_158 = arith.constant 1 : i32
          %add3A_159 = arith.addi %add3A_132, %add3A_158 : i32
          %mul3A_160 = arith.constant 2048 : i32
          %mul3A_161 = arith.muli %add3A_159, %mul3A_160 : i32
          %dma_start3A_162 = tpu.memref_slice %arg5[%add3A_123, %mul3A_161] : memref<416x16384xf32, #tpu.memory_space<hbm>> -> memref<1x2048xf32, #tpu.memory_space<hbm>>
          %dma_start3A_163 = tpu.memref_squeeze %dma_start3A_162 : memref<1x2048xf32, #tpu.memory_space<hbm>> -> memref<2048xf32, #tpu.memory_space<hbm>>
          %dma_start3A_164 = tpu.memref_slice %arg5[%add3A_123, %mul3A_161] : memref<416x16384xf32, #tpu.memory_space<hbm>> -> memref<1x2048xf32, #tpu.memory_space<hbm>>
          %dma_start3A_165 = tpu.memref_squeeze %dma_start3A_164 : memref<1x2048xf32, #tpu.memory_space<hbm>> -> memref<2048xf32, #tpu.memory_space<hbm>>
          tpu.enqueue_dma source(%arg10 : memref<2048xf32, #tpu.memory_space<vmem>>) target(%dma_start3A_165 : memref<2048xf32, #tpu.memory_space<hbm>>) target_semaphore(%arg12 : memref<!tpu.dma_semaphore, #tpu.memory_space<semaphore_mem>>)
        }
        %scan3A_127 = arith.constant 4 : i32
      } else {
      }
      %eq3A_113 = arith.constant 16 : i32
      %eq3A_114 = arith.cmpi eq, %sub3A_105, %eq3A_113 : i32
      %convert_element_type3A_115 = arith.extui %eq3A_114 : i1 to i32
      %cond3A_116 = arith.constant 0 : i32
      %cond3A_117 = arith.cmpi ne, %convert_element_type3A_115, %cond3A_116 : i32
      scf.if %cond3A_117 {
        "tpu.region"() ({
          %run_scoped3A = tpu.sem_alloc : memref<!tpu.dma_semaphore, #tpu.memory_space<semaphore_mem>>
          %dma_start3A = arith.constant 0 : i32
          %dma_start3A_122 = tpu.memref_slice %arg3[%select_n3A_102, %dma_start3A] : memref<26x100000xf32, #tpu.memory_space<hbm>> -> memref<1x100000xf32, #tpu.memory_space<hbm>>
          %dma_start3A_123 = tpu.memref_squeeze %dma_start3A_122 : memref<1x100000xf32, #tpu.memory_space<hbm>> -> memref<100000xf32, #tpu.memory_space<hbm>>
          %dma_start3A_124 = arith.constant 0 : i32
          %dma_start3A_125 = tpu.memref_slice %arg3[%select_n3A_102, %dma_start3A_124] : memref<26x100000xf32, #tpu.memory_space<hbm>> -> memref<1x100000xf32, #tpu.memory_space<hbm>>
          %dma_start3A_126 = tpu.memref_squeeze %dma_start3A_125 : memref<1x100000xf32, #tpu.memory_space<hbm>> -> memref<100000xf32, #tpu.memory_space<hbm>>
          tpu.enqueue_dma source(%dma_start3A_126 : memref<100000xf32, #tpu.memory_space<hbm>>) target(%arg7 : memref<100000xf32, #tpu.memory_space<vmem>>) target_semaphore(%run_scoped3A : memref<!tpu.dma_semaphore, #tpu.memory_space<semaphore_mem>>)
          %dma_wait3A_127 = arith.constant 0 : i32
          %dma_wait3A_128 = tpu.memref_slice %arg3[%select_n3A_102, %dma_wait3A_127] : memref<26x100000xf32, #tpu.memory_space<hbm>> -> memref<1x100000xf32, #tpu.memory_space<hbm>>
          %dma_wait3A_129 = tpu.memref_squeeze %dma_wait3A_128 : memref<1x100000xf32, #tpu.memory_space<hbm>> -> memref<100000xf32, #tpu.memory_space<hbm>>
          %dma_wait3A_130 = arith.constant 0 : i32
          %dma_wait3A_131 = tpu.memref_slice %arg3[%select_n3A_102, %dma_wait3A_130] : memref<26x100000xf32, #tpu.memory_space<hbm>> -> memref<1x100000xf32, #tpu.memory_space<hbm>>
          %dma_wait3A_132 = tpu.memref_squeeze %dma_wait3A_131 : memref<1x100000xf32, #tpu.memory_space<hbm>> -> memref<100000xf32, #tpu.memory_space<hbm>>
          tpu.wait_dma2 semaphore(%run_scoped3A : memref<!tpu.dma_semaphore, #tpu.memory_space<semaphore_mem>>) src(%dma_wait3A_132 : memref<100000xf32, #tpu.memory_space<hbm>>) dst(%arg7 : memref<100000xf32, #tpu.memory_space<vmem>>)
          tpu.yield
        }) : () -> ()
        %scan3A = arith.constant 0 : i32
        %scan3A_118 = arith.constant 4 : i32
        %scan3A_119 = arith.addi %scan3A, %scan3A_118 : i32
        %scan3A_120 = arith.constant 1 : i32
        scf.for %scan3A_122 = %scan3A to %scan3A_119 step %scan3A_120  : i32 {
          %mul3A_123 = arith.constant 2 : i32
          %mul3A_124 = arith.muli %scan3A_122, %mul3A_123 : i32
          %add3A_125 = arith.constant 0 : i32
          %add3A_126 = arith.addi %add3A_125, %mul3A_124 : i32
          %gt3A = arith.constant 0 : i32
          %gt3A_127 = arith.cmpi sgt, %add3A_126, %gt3A : i32
          %not3A = arith.constant true
          %not3A_128 = arith.xori %eq3A, %not3A : i1
          %or3A_129 = arith.ori %gt3A_127, %not3A_128 : i1
          %convert_element_type3A_130 = arith.extui %or3A_129 : i1 to i32
          %cond3A_131 = arith.constant 0 : i32
          %cond3A_132 = arith.cmpi ne, %convert_element_type3A_130, %cond3A_131 : i32
          scf.if %cond3A_132 {
            %dma_wait3A_160 = arith.constant 0 : i32
            %dma_wait3A_161 = tpu.memref_slice %arg6[%select_n3A_102, %dma_wait3A_160] : memref<26x16384xf32, #tpu.memory_space<hbm>> -> memref<1x2048xf32, #tpu.memory_space<hbm>>
            %dma_wait3A_162 = tpu.memref_squeeze %dma_wait3A_161 : memref<1x2048xf32, #tpu.memory_space<hbm>> -> memref<2048xf32, #tpu.memory_space<hbm>>
            %dma_wait3A_163 = arith.constant 0 : i32
            %dma_wait3A_164 = tpu.memref_slice %arg6[%select_n3A_102, %dma_wait3A_163] : memref<26x16384xf32, #tpu.memory_space<hbm>> -> memref<1x2048xf32, #tpu.memory_space<hbm>>
            %dma_wait3A_165 = tpu.memref_squeeze %dma_wait3A_164 : memref<1x2048xf32, #tpu.memory_space<hbm>> -> memref<2048xf32, #tpu.memory_space<hbm>>
            tpu.wait_dma2 semaphore(%arg11 : memref<!tpu.dma_semaphore, #tpu.memory_space<semaphore_mem>>) src(%arg9 : memref<2048xf32, #tpu.memory_space<vmem>>) dst(%dma_wait3A_165 : memref<2048xf32, #tpu.memory_space<hbm>>)
          } else {
          }
          %mul3A_133 = arith.constant 2048 : i32
          %mul3A_134 = arith.muli %add3A_126, %mul3A_133 : i32
          %parallel_loop3A = arith.constant 0 : i32
          %parallel_loop3A_135 = arith.constant 2048 : i32
          %parallel_loop3A_136 = arith.constant 16 : i32
          scf.for %parallel_loop3A_160 = %parallel_loop3A to %parallel_loop3A_135 step %parallel_loop3A_136  : i32 {
            %parallel_loop3A_161 = arith.addi %mul3A_134, %parallel_loop3A_160 : i32
            %parallel_loop3A_162 = arith.index_cast %parallel_loop3A_161 : i32 to index
            %parallel_loop3A_163 = tpu.vector_load %arg8[%parallel_loop3A_162] {strides = array<i32>} : memref<16384xi32, #tpu.memory_space<vmem>>, vector<16xi32>,
            %parallel_loop3A_164 = tpu.vector_load_idx %arg7[%parallel_loop3A_163] : memref<100000xf32, #tpu.memory_space<vmem>>[vector<16xi32>], vector<16xf32>,
            %parallel_loop3A_165 = arith.index_cast %parallel_loop3A_160 : i32 to index
            %parallel_loop3A_166 = tpu.vector_load %arg9[%parallel_loop3A_165] {strides = array<i32>} : memref<2048xf32, #tpu.memory_space<vmem>>, vector<16xf32>,
            tpu.vector_store %arg9[%parallel_loop3A_165], %parallel_loop3A_164 {strides = array<i32>} : memref<2048xf32, #tpu.memory_space<vmem>>, vector<16xf32>,
          } {sc.loop_unroll_factor = 8 : i64, sc.parallel_access}
          %mul3A_137 = arith.constant 2048 : i32
          %mul3A_138 = arith.muli %add3A_126, %mul3A_137 : i32
          %dma_start3A = tpu.memref_slice %arg6[%select_n3A_102, %mul3A_138] : memref<26x16384xf32, #tpu.memory_space<hbm>> -> memref<1x2048xf32, #tpu.memory_space<hbm>>
          %dma_start3A_139 = tpu.memref_squeeze %dma_start3A : memref<1x2048xf32, #tpu.memory_space<hbm>> -> memref<2048xf32, #tpu.memory_space<hbm>>
          %dma_start3A_140 = tpu.memref_slice %arg6[%select_n3A_102, %mul3A_138] : memref<26x16384xf32, #tpu.memory_space<hbm>> -> memref<1x2048xf32, #tpu.memory_space<hbm>>
          %dma_start3A_141 = tpu.memref_squeeze %dma_start3A_140 : memref<1x2048xf32, #tpu.memory_space<hbm>> -> memref<2048xf32, #tpu.memory_space<hbm>>
          tpu.enqueue_dma source(%arg9 : memref<2048xf32, #tpu.memory_space<vmem>>) target(%dma_start3A_141 : memref<2048xf32, #tpu.memory_space<hbm>>) target_semaphore(%arg11 : memref<!tpu.dma_semaphore, #tpu.memory_space<semaphore_mem>>)
          %convert_element_type3A_142 = arith.extui %or3A_129 : i1 to i32
          %cond3A_143 = arith.constant 0 : i32
          %cond3A_144 = arith.cmpi ne, %convert_element_type3A_142, %cond3A_143 : i32
          scf.if %cond3A_144 {
            %dma_wait3A_160 = arith.constant 0 : i32
            %dma_wait3A_161 = tpu.memref_slice %arg6[%select_n3A_102, %dma_wait3A_160] : memref<26x16384xf32, #tpu.memory_space<hbm>> -> memref<1x2048xf32, #tpu.memory_space<hbm>>
            %dma_wait3A_162 = tpu.memref_squeeze %dma_wait3A_161 : memref<1x2048xf32, #tpu.memory_space<hbm>> -> memref<2048xf32, #tpu.memory_space<hbm>>
            %dma_wait3A_163 = arith.constant 0 : i32
            %dma_wait3A_164 = tpu.memref_slice %arg6[%select_n3A_102, %dma_wait3A_163] : memref<26x16384xf32, #tpu.memory_space<hbm>> -> memref<1x2048xf32, #tpu.memory_space<hbm>>
            %dma_wait3A_165 = tpu.memref_squeeze %dma_wait3A_164 : memref<1x2048xf32, #tpu.memory_space<hbm>> -> memref<2048xf32, #tpu.memory_space<hbm>>
            tpu.wait_dma2 semaphore(%arg12 : memref<!tpu.dma_semaphore, #tpu.memory_space<semaphore_mem>>) src(%arg10 : memref<2048xf32, #tpu.memory_space<vmem>>) dst(%dma_wait3A_165 : memref<2048xf32, #tpu.memory_space<hbm>>)
          } else {
          }
          %add3A_145 = arith.constant 1 : i32
          %add3A_146 = arith.addi %add3A_126, %add3A_145 : i32
          %mul3A_147 = arith.constant 2048 : i32
          %mul3A_148 = arith.muli %add3A_146, %mul3A_147 : i32
          %parallel_loop3A_149 = arith.constant 0 : i32
          %parallel_loop3A_150 = arith.constant 2048 : i32
          %parallel_loop3A_151 = arith.constant 16 : i32
          scf.for %parallel_loop3A_160 = %parallel_loop3A_149 to %parallel_loop3A_150 step %parallel_loop3A_151  : i32 {
            %parallel_loop3A_161 = arith.addi %mul3A_148, %parallel_loop3A_160 : i32
            %parallel_loop3A_162 = arith.index_cast %parallel_loop3A_161 : i32 to index
            %parallel_loop3A_163 = tpu.vector_load %arg8[%parallel_loop3A_162] {strides = array<i32>} : memref<16384xi32, #tpu.memory_space<vmem>>, vector<16xi32>,
            %parallel_loop3A_164 = tpu.vector_load_idx %arg7[%parallel_loop3A_163] : memref<100000xf32, #tpu.memory_space<vmem>>[vector<16xi32>], vector<16xf32>,
            %parallel_loop3A_165 = arith.index_cast %parallel_loop3A_160 : i32 to index
            %parallel_loop3A_166 = tpu.vector_load %arg10[%parallel_loop3A_165] {strides = array<i32>} : memref<2048xf32, #tpu.memory_space<vmem>>, vector<16xf32>,
            tpu.vector_store %arg10[%parallel_loop3A_165], %parallel_loop3A_164 {strides = array<i32>} : memref<2048xf32, #tpu.memory_space<vmem>>, vector<16xf32>,
          } {sc.loop_unroll_factor = 8 : i64, sc.parallel_access}
          %add3A_152 = arith.constant 1 : i32
          %add3A_153 = arith.addi %add3A_126, %add3A_152 : i32
          %mul3A_154 = arith.constant 2048 : i32
          %mul3A_155 = arith.muli %add3A_153, %mul3A_154 : i32
          %dma_start3A_156 = tpu.memref_slice %arg6[%select_n3A_102, %mul3A_155] : memref<26x16384xf32, #tpu.memory_space<hbm>> -> memref<1x2048xf32, #tpu.memory_space<hbm>>
          %dma_start3A_157 = tpu.memref_squeeze %dma_start3A_156 : memref<1x2048xf32, #tpu.memory_space<hbm>> -> memref<2048xf32, #tpu.memory_space<hbm>>
          %dma_start3A_158 = tpu.memref_slice %arg6[%select_n3A_102, %mul3A_155] : memref<26x16384xf32, #tpu.memory_space<hbm>> -> memref<1x2048xf32, #tpu.memory_space<hbm>>
          %dma_start3A_159 = tpu.memref_squeeze %dma_start3A_158 : memref<1x2048xf32, #tpu.memory_space<hbm>> -> memref<2048xf32, #tpu.memory_space<hbm>>
          tpu.enqueue_dma source(%arg10 : memref<2048xf32, #tpu.memory_space<vmem>>) target(%dma_start3A_159 : memref<2048xf32, #tpu.memory_space<hbm>>) target_semaphore(%arg12 : memref<!tpu.dma_semaphore, #tpu.memory_space<semaphore_mem>>)
        }
        %scan3A_121 = arith.constant 4 : i32
      } else {
      }
    }
    %dma_wait3A = arith.constant 0 : i32
    %dma_wait3A_63 = arith.constant 0 : i32
    %dma_wait3A_64 = tpu.memref_slice %arg5[%dma_wait3A, %dma_wait3A_63] : memref<416x16384xf32, #tpu.memory_space<hbm>> -> memref<1x2048xf32, #tpu.memory_space<hbm>>
    %dma_wait3A_65 = tpu.memref_squeeze %dma_wait3A_64 : memref<1x2048xf32, #tpu.memory_space<hbm>> -> memref<2048xf32, #tpu.memory_space<hbm>>
    %dma_wait3A_66 = arith.constant 0 : i32
    %dma_wait3A_67 = tpu.memref_slice %arg5[%dma_wait3A, %dma_wait3A_66] : memref<416x16384xf32, #tpu.memory_space<hbm>> -> memref<1x2048xf32, #tpu.memory_space<hbm>>
    %dma_wait3A_68 = tpu.memref_squeeze %dma_wait3A_67 : memref<1x2048xf32, #tpu.memory_space<hbm>> -> memref<2048xf32, #tpu.memory_space<hbm>>
    tpu.wait_dma2 semaphore(%arg11 : memref<!tpu.dma_semaphore, #tpu.memory_space<semaphore_mem>>) src(%arg9 : memref<2048xf32, #tpu.memory_space<vmem>>) dst(%dma_wait3A_68 : memref<2048xf32, #tpu.memory_space<hbm>>)
    %dma_wait3A_69 = arith.constant 0 : i32
    %dma_wait3A_70 = arith.constant 0 : i32
    %dma_wait3A_71 = tpu.memref_slice %arg5[%dma_wait3A_69, %dma_wait3A_70] : memref<416x16384xf32, #tpu.memory_space<hbm>> -> memref<1x2048xf32, #tpu.memory_space<hbm>>
    %dma_wait3A_72 = tpu.memref_squeeze %dma_wait3A_71 : memref<1x2048xf32, #tpu.memory_space<hbm>> -> memref<2048xf32, #tpu.memory_space<hbm>>
    %dma_wait3A_73 = arith.constant 0 : i32
    %dma_wait3A_74 = tpu.memref_slice %arg5[%dma_wait3A_69, %dma_wait3A_73] : memref<416x16384xf32, #tpu.memory_space<hbm>> -> memref<1x2048xf32, #tpu.memory_space<hbm>>
    %dma_wait3A_75 = tpu.memref_squeeze %dma_wait3A_74 : memref<1x2048xf32, #tpu.memory_space<hbm>> -> memref<2048xf32, #tpu.memory_space<hbm>>
    tpu.wait_dma2 semaphore(%arg12 : memref<!tpu.dma_semaphore, #tpu.memory_space<semaphore_mem>>) src(%arg10 : memref<2048xf32, #tpu.memory_space<vmem>>) dst(%dma_wait3A_75 : memref<2048xf32, #tpu.memory_space<hbm>>)
    return
  }
}

module attributes {stable_mosaic.version = 14 : i64} {
  func.func @_tc_body(%arg0: i32, %arg1: memref<416x512xf32, #tpu.memory_space<vmem>>, %arg2: memref<13x512xf32, #tpu.memory_space<vmem>>, %arg3: memref<26x512xf32, #tpu.memory_space<vmem>>, %arg4: memref<416x400xf32, #tpu.memory_space<vmem>>, %arg5: memref<13x400xf32, #tpu.memory_space<vmem>>, %arg6: memref<1x400xf32, #tpu.memory_space<vmem>>, %arg7: memref<400x400xf32, #tpu.memory_space<vmem>>, %arg8: memref<1x400xf32, #tpu.memory_space<vmem>>, %arg9: memref<1x400xf32, #tpu.memory_space<vmem>>, %arg10: memref<13x1xf32, #tpu.memory_space<vmem>>, %arg11: memref<1x1xf32, #tpu.memory_space<vmem>>, %arg12: memref<512xf32, #tpu.memory_space<vmem>>) attributes {dimension_semantics = [#tpu.dimension_semantics<parallel>], iteration_bounds = array<i64: 32>, scalar_prefetch = 0 : i64, scratch_operands = 0 : i64, tpu.core_type = #tpu.core_type<tc>, window_params = [{transform_indices = @transform_0, window_bounds = array<i64: 416, 512>}, {transform_indices = @transform_1, window_bounds = array<i64: 13, 512>}, {transform_indices = @transform_2, window_bounds = array<i64: 26, 512>}, {pipeline_mode = #tpu.pipeline_mode<synchronous>, transform_indices = @transform_3, window_bounds = array<i64: 416, 400>}, {pipeline_mode = #tpu.pipeline_mode<synchronous>, transform_indices = @transform_4, window_bounds = array<i64: 13, 400>}, {pipeline_mode = #tpu.pipeline_mode<synchronous>, transform_indices = @transform_5, window_bounds = array<i64: 1, 400>}, {pipeline_mode = #tpu.pipeline_mode<synchronous>, transform_indices = @transform_6, window_bounds = array<i64: 400, 400>}, {pipeline_mode = #tpu.pipeline_mode<synchronous>, transform_indices = @transform_7, window_bounds = array<i64: 1, 400>}, {pipeline_mode = #tpu.pipeline_mode<synchronous>, transform_indices = @transform_8, window_bounds = array<i64: 1, 400>}, {pipeline_mode = #tpu.pipeline_mode<synchronous>, transform_indices = @transform_9, window_bounds = array<i64: 13, 1>}, {pipeline_mode = #tpu.pipeline_mode<synchronous>, transform_indices = @transform_10, window_bounds = array<i64: 1, 1>}, {transform_indices = @transform_11, window_bounds = array<i64: 512>}]} {
    %get3A = arith.constant 0 : index
    %get3A_0 = arith.constant 0 : index
    %get3A_1 = vector.load %arg1[%get3A, %get3A_0] : memref<416x512xf32, #tpu.memory_space<vmem>>, vector<416x512xf32>
    %get3A_2 = arith.constant 0 : index
    %get3A_3 = arith.constant 0 : index
    %get3A_4 = vector.load %arg2[%get3A_2, %get3A_3] : memref<13x512xf32, #tpu.memory_space<vmem>>, vector<13x512xf32>
    %convert_element_type3A = arith.truncf %get3A_1 : vector<416x512xf32> to vector<416x512xbf16>
    %get3A_5 = arith.constant 0 : index
    %get3A_6 = arith.constant 0 : index
    %get3A_7 = vector.load %arg4[%get3A_5, %get3A_6] : memref<416x400xf32, #tpu.memory_space<vmem>>, vector<416x400xf32>
    %convert_element_type3A_8 = arith.truncf %get3A_7 : vector<416x400xf32> to vector<416x400xbf16>
    %dot_general3A = arith.constant dense<0.000000e+00> : vector<512x400xf32>
    %dot_general3A_9 = tpu.matmul %convert_element_type3A, %convert_element_type3A_8, %dot_general3A {dimension_numbers = #tpu.dot_dimension_numbers<[0], [0], [1], [1], [0, 1, 1, 1], [], []>, transpose_lhs_hint = false} : vector<416x512xbf16>, vector<416x400xbf16>, vector<512x400xf32> -> vector<512x400xf32>
    %get3A_10 = arith.constant 0 : index
    %get3A_11 = arith.constant 0 : index
    %get3A_12 = vector.load %arg5[%get3A_10, %get3A_11] : memref<13x400xf32, #tpu.memory_space<vmem>>, vector<13x400xf32>
    %dot_general3A_13 = arith.constant dense<0.000000e+00> : vector<512x400xf32>
    %dot_general3A_14 = tpu.matmul %get3A_4, %get3A_12, %dot_general3A_13 {dimension_numbers = #tpu.dot_dimension_numbers<[0], [0], [1], [1], [0, 1, 1, 1], [], []>, transpose_lhs_hint = false} : vector<13x512xf32>, vector<13x400xf32>, vector<512x400xf32> -> vector<512x400xf32>
    %add3A = arith.addf %dot_general3A_9, %dot_general3A_14 : vector<512x400xf32>
    %get3A_15 = arith.constant 0 : index
    %get3A_16 = arith.constant 0 : index
    %get3A_17 = vector.load %arg6[%get3A_15, %get3A_16] : memref<1x400xf32, #tpu.memory_space<vmem>>, vector<1x400xf32>
    %add3A_18 = vector.broadcast %get3A_17 : vector<1x400xf32> to vector<512x400xf32>
    %add3A_19 = arith.addf %add3A, %add3A_18 : vector<512x400xf32>
    %tanh3A = math.tanh %add3A_19 : vector<512x400xf32>
    %convert_element_type3A_20 = arith.truncf %tanh3A : vector<512x400xf32> to vector<512x400xbf16>
    %get3A_21 = arith.constant 0 : index
    %get3A_22 = arith.constant 0 : index
    %get3A_23 = vector.load %arg7[%get3A_21, %get3A_22] : memref<400x400xf32, #tpu.memory_space<vmem>>, vector<400x400xf32>
    %convert_element_type3A_24 = arith.truncf %get3A_23 : vector<400x400xf32> to vector<400x400xbf16>
    %dot_general3A_25 = arith.constant dense<0.000000e+00> : vector<512x400xf32>
    %dot_general3A_26 = tpu.matmul %convert_element_type3A_20, %convert_element_type3A_24, %dot_general3A_25 {dimension_numbers = #tpu.dot_dimension_numbers<[1], [0], [0], [1], [0, 0, 1, 1], [], []>, transpose_lhs_hint = false} : vector<512x400xbf16>, vector<400x400xbf16>, vector<512x400xf32> -> vector<512x400xf32>
    %get3A_27 = arith.constant 0 : index
    %get3A_28 = arith.constant 0 : index
    %get3A_29 = vector.load %arg8[%get3A_27, %get3A_28] : memref<1x400xf32, #tpu.memory_space<vmem>>, vector<1x400xf32>
    %add3A_30 = vector.broadcast %get3A_29 : vector<1x400xf32> to vector<512x400xf32>
    %add3A_31 = arith.addf %dot_general3A_26, %add3A_30 : vector<512x400xf32>
    %tanh3A_32 = math.tanh %add3A_31 : vector<512x400xf32>
    %get3A_33 = arith.constant 0 : index
    %get3A_34 = arith.constant 0 : index
    %get3A_35 = vector.load %arg9[%get3A_33, %get3A_34] : memref<1x400xf32, #tpu.memory_space<vmem>>, vector<1x400xf32>
    %mul3A = vector.broadcast %get3A_35 : vector<1x400xf32> to vector<512x400xf32>
    %mul3A_36 = arith.mulf %tanh3A_32, %mul3A : vector<512x400xf32>
    %reduce_sum3A = arith.constant dense<0.000000e+00> : vector<512xf32>
    %reduce_sum3A_37 = vector.multi_reduction <add>, %mul3A_36, %reduce_sum3A [1] : vector<512x400xf32> to vector<512xf32>
    %iota3A = tpu.iota {dimensions = array<i32: 0>} : vector<416x16xi32>
    %iota3A_38 = tpu.iota {dimensions = array<i32: 1>} : vector<416x16xi32>
    %rem3A = arith.constant 16 : i32
    %rem3A_39 = vector.broadcast %rem3A : i32 to vector<416x16xi32>
    %rem3A_40 = arith.remsi %iota3A, %rem3A_39 : vector<416x16xi32>
    %eq3A = arith.cmpi eq, %rem3A_40, %iota3A_38 : vector<416x16xi32>
    %jit3A = arith.constant 1.000000e+00 : f32
    %jit3A_41 = arith.constant 0.000000e+00 : f32
    %broadcast_in_dim3A = vector.broadcast %jit3A : f32 to vector<416x16xf32>
    %broadcast_in_dim3A_42 = vector.broadcast %jit3A_41 : f32 to vector<416x16xf32>
    %select_n3A = arith.select %eq3A, %broadcast_in_dim3A, %broadcast_in_dim3A_42 : vector<416x16xi1>, vector<416x16xf32>
    %convert_element_type3A_43 = arith.truncf %select_n3A : vector<416x16xf32> to vector<416x16xbf16>
    %dot_general3A_44 = arith.constant dense<0.000000e+00> : vector<512x16xf32>
    %dot_general3A_45 = tpu.matmul %convert_element_type3A, %convert_element_type3A_43, %dot_general3A_44 {dimension_numbers = #tpu.dot_dimension_numbers<[0], [0], [1], [1], [0, 1, 1, 1], [], []>, transpose_lhs_hint = false} : vector<416x512xbf16>, vector<416x16xbf16>, vector<512x16xf32> -> vector<512x16xf32>
    %mul3A_46 = arith.mulf %dot_general3A_45, %dot_general3A_45 : vector<512x16xf32>
    %reduce_sum3A_47 = arith.constant dense<0.000000e+00> : vector<512xf32>
    %reduce_sum3A_48 = vector.multi_reduction <add>, %mul3A_46, %reduce_sum3A_47 [1] : vector<512x16xf32> to vector<512xf32>
    %mul3A_49 = arith.mulf %get3A_1, %get3A_1 : vector<416x512xf32>
    %reduce_sum3A_50 = arith.constant dense<0.000000e+00> : vector<512xf32>
    %reduce_sum3A_51 = vector.multi_reduction <add>, %mul3A_49, %reduce_sum3A_50 [0] : vector<416x512xf32> to vector<512xf32>
    %sub3A = arith.subf %reduce_sum3A_48, %reduce_sum3A_51 : vector<512xf32>
    %mul3A_52 = arith.constant 5.000000e-01 : f32
    %mul3A_53 = vector.broadcast %mul3A_52 : f32 to vector<512xf32>
    %mul3A_54 = arith.mulf %mul3A_53, %sub3A : vector<512xf32>
    %get3A_55 = arith.constant 0 : index
    %get3A_56 = arith.constant 0 : index
    %get3A_57 = vector.load %arg3[%get3A_55, %get3A_56] : memref<26x512xf32, #tpu.memory_space<vmem>>, vector<26x512xf32>
    %reduce_sum3A_58 = arith.constant dense<0.000000e+00> : vector<512xf32>
    %reduce_sum3A_59 = vector.multi_reduction <add>, %get3A_57, %reduce_sum3A_58 [0] : vector<26x512xf32> to vector<512xf32>
    %get3A_60 = arith.constant 0 : index
    %get3A_61 = arith.constant 0 : index
    %get3A_62 = vector.load %arg10[%get3A_60, %get3A_61] : memref<13x1xf32, #tpu.memory_space<vmem>>, vector<13x1xf32>
    %mul3A_63 = vector.broadcast %get3A_62 : vector<13x1xf32> to vector<13x512xf32>
    %mul3A_64 = arith.mulf %get3A_4, %mul3A_63 : vector<13x512xf32>
    %reduce_sum3A_65 = arith.constant dense<0.000000e+00> : vector<512xf32>
    %reduce_sum3A_66 = vector.multi_reduction <add>, %mul3A_64, %reduce_sum3A_65 [0] : vector<13x512xf32> to vector<512xf32>
    %add3A_67 = arith.addf %reduce_sum3A_59, %reduce_sum3A_66 : vector<512xf32>
    %get3A_68 = arith.constant 0 : index
    %get3A_69 = arith.constant 0 : index
    %get3A_70 = vector.load %arg11[%get3A_68, %get3A_69] : memref<1x1xf32, #tpu.memory_space<vmem>>, vector<1x1xf32>
    %get3A_71 = vector.extract %get3A_70[0, 0] : f32 from vector<1x1xf32>
    %add3A_72 = vector.broadcast %get3A_71 : f32 to vector<512xf32>
    %add3A_73 = arith.addf %add3A_67, %add3A_72 : vector<512xf32>
    %add3A_74 = arith.addf %reduce_sum3A_37, %mul3A_54 : vector<512xf32>
    %add3A_75 = arith.addf %add3A_74, %add3A_73 : vector<512xf32>
    %swap3A = arith.constant 0 : index
    %swap3A_76 = vector.load %arg12[%swap3A] : memref<512xf32, #tpu.memory_space<vmem>>, vector<512xf32>
    tpu.vector_store %arg12[%swap3A], %add3A_75 {strides = array<i32>} : memref<512xf32, #tpu.memory_space<vmem>>, vector<512xf32>,
    return
  }
  func.func @transform_0(%arg0: i32) -> (i32, i32) {
    %c0_i32 = arith.constant 0 : i32
    %c0_i32_0 = arith.constant 0 : i32
    return %c0_i32, %arg0 : i32, i32
  }
  func.func @transform_1(%arg0: i32) -> (i32, i32) {
    %c0_i32 = arith.constant 0 : i32
    %c0_i32_0 = arith.constant 0 : i32
    return %c0_i32, %arg0 : i32, i32
  }
  func.func @transform_2(%arg0: i32) -> (i32, i32) {
    %c0_i32 = arith.constant 0 : i32
    %c0_i32_0 = arith.constant 0 : i32
    return %c0_i32, %arg0 : i32, i32
  }
  func.func @transform_3(%arg0: i32) -> (i32, i32) {
    %c0_i32 = arith.constant 0 : i32
    %c0_i32_0 = arith.constant 0 : i32
    %c0_i32_1 = arith.constant 0 : i32
    return %c0_i32, %c0_i32_0 : i32, i32
  }
  func.func @transform_4(%arg0: i32) -> (i32, i32) {
    %c0_i32 = arith.constant 0 : i32
    %c0_i32_0 = arith.constant 0 : i32
    %c0_i32_1 = arith.constant 0 : i32
    return %c0_i32, %c0_i32_0 : i32, i32
  }
  func.func @transform_5(%arg0: i32) -> (i32, i32) {
    %c0_i32 = arith.constant 0 : i32
    %c0_i32_0 = arith.constant 0 : i32
    %c0_i32_1 = arith.constant 0 : i32
    return %c0_i32, %c0_i32_0 : i32, i32
  }
  func.func @transform_6(%arg0: i32) -> (i32, i32) {
    %c0_i32 = arith.constant 0 : i32
    %c0_i32_0 = arith.constant 0 : i32
    %c0_i32_1 = arith.constant 0 : i32
    return %c0_i32, %c0_i32_0 : i32, i32
  }
  func.func @transform_7(%arg0: i32) -> (i32, i32) {
    %c0_i32 = arith.constant 0 : i32
    %c0_i32_0 = arith.constant 0 : i32
    %c0_i32_1 = arith.constant 0 : i32
    return %c0_i32, %c0_i32_0 : i32, i32
  }
  func.func @transform_8(%arg0: i32) -> (i32, i32) {
    %c0_i32 = arith.constant 0 : i32
    %c0_i32_0 = arith.constant 0 : i32
    %c0_i32_1 = arith.constant 0 : i32
    return %c0_i32, %c0_i32_0 : i32, i32
  }
  func.func @transform_9(%arg0: i32) -> (i32, i32) {
    %c0_i32 = arith.constant 0 : i32
    %c0_i32_0 = arith.constant 0 : i32
    %c0_i32_1 = arith.constant 0 : i32
    return %c0_i32, %c0_i32_0 : i32, i32
  }
  func.func @transform_10(%arg0: i32) -> (i32, i32) {
    %c0_i32 = arith.constant 0 : i32
    %c0_i32_0 = arith.constant 0 : i32
    %c0_i32_1 = arith.constant 0 : i32
    return %c0_i32, %c0_i32_0 : i32, i32
  }
  func.func @transform_11(%arg0: i32) -> i32 {
    %c0_i32 = arith.constant 0 : i32
    return %arg0 : i32
  }
}

</mosaic_0001>

<sc_bundles>
// kernel: kernel.4.cloned.1.call-start
scs
__scs_entry_jumppad:
0x0: {  	(pc) =	sbr.rel $0x88, $3  }
0x1: {  	(tag) =	ssettag $0x0;
	lr =	simm.s32 $0x1  }
0x2: {  	[smem:$0x3F95] =	sst lr;
	_ =	strace $0xD0000000  }
0x3: {  	_ = 	snop  }
0x4: {  	_ = 	snop  }
0x5: {  	_ = 	snop  }
0x6: {  	_ = 	snop  }
0x7: {  	_ = 	snop  }
__scs_overlays_trampoline_lowered:
0x8: {  	[smem:$0x3FA4] =	sst s0  }
0x9: {  	[smem:$0x3FA5] =	sst s1  }
0xa: {  	[smem:$0x3FA6] =	sst s2  }
0xb: {  	[smem:$0x3FA7] =	sst s3  }
0xc: {  	[smem:$0x3FA8] =	sst s4  }
0xd: {  	[smem:$0x3FA9] =	sst s5  }
0xe: {  	[smem:$0x3FAA] =	sst s6  }
0xf: {  	[smem:$0x3FAB] =	sst s7  }
0x10: {  	[smem:$0x3FAC] =	sst s8  }
0x11: {  	[smem:$0x3FAD] =	sst s9;
	s0 =	simm.s32 @!p0 $0x0  }
0x12: {  	s1 =	sld [smem:$0x3F93];
	s0 =	simm.s32 @p0 $0x1  }
0x13: {  	[smem:$0x3FAE] =	sst s0;
	s0 =	simm.s32 @!p1 $0x0  }
0x14: {  	s2 =	sld [smem:$0x3F92];
	s0 =	simm.s32 @p1 $0x1  }
0x15: {  	[smem:$0x3FAF] =	sst s0;
	s0 =	simm.s32 @!p2 $0x0  }
0x16: {  	s3 =	sld [smem:$0x3FDB];
	s0 =	simm.s32 @p2 $0x1  }
0x17: {  	s4 =	simm.s32 $0x1BF5;
	[smem:$0x3FB1] =	sst s0  }
0x18: {  	s0 =	sld [smem:$0x3F94];
	_ =	swait.ge [sflag:s4], $0x0  }
0x19: {  	s7 =	sld [smem:$0x3F95]  }
0x1a: {  	s8 =	sadd.s32 $0xFFFFE003, lr  }
0x1b: {  	s9 =	sadd.s32 $0xFFFFFEF7, lr;
	s5 =	simm.s32 $0xFFFFFFFF;
	p2 =	slt.u32 s8, $0xFFFFF086  }
0x1c: {  	p1 =	slt.u32 s9, $0xF7A;
	s5 =	simm.s32 @!p2 $0x0  }
0x1d: {  	s5 =	simm.s32 @p1 $0x1;
	p0 =	seq.s32 s7, s2  }
0x1e: {  	s7 =	smul.u32 @!p0 $0xF7A, s2;
	p2 =	seq.s32 @!p0 s5, $0x0  }
0x1f: {  	s9 =	smul.u32 $0xF7A, s1;
	s8 =	simm.s32 @!p0 $0x1BF5;
	p2 =	por !p2, p0  }
0x20: {  	[sflag:s8] =	ssyncset.s32 @!p0 $0xFFFFF086;
	s6 =	sadd.s32 @!p0 s3, s7;
	s7 =	simm.s32 @!p0 $0x108  }
0x21: {  	s3 =	sadd.s32 s3, s9;
	s6 =	sadd.s32 @!p0 $0x88, s6;
	s7 =	simm.s32 @p2 $0x1082  }
0x22: {  	[simem:s7], [sflag:s8] =	dma.local @!p0 [hbm:s6], $0xF7A  }
0x23: {  	s9 =	sor.u32 $0xD0000000, s2;
	s6 =	simm.s32 $0x108;
	_ =	swait.ge @!p0 [sflag:s8], $0x0  }
0x24: {  	s3 =	sadd.s32 $0x88, s3;
	s6 =	simm.s32 @!p1 $0x1082;
	[sflag:s4] =	ssyncset.s32 $0xFFFFF086  }
0x25: {  	[simem:s6], [sflag:s4] =	dma.local [hbm:s3], $0xF7A  }
0x26: {  	[smem:$0x3F95] =	sst s1;
	(tag) =	ssettag s2;
	_ =	strace s9  }
0x27: {  	s1 =	sld [smem:$0x3FA5]  }
0x28: {  	s2 =	sld [smem:$0x3FA6]  }
0x29: {  	s4 =	sld [smem:$0x3FA8]  }
0x2a: {  	p0 =	seq.s32 s5, $0x0;
	s5 =	sld [smem:$0x3FA9]  }
0x2b: {  	s6 =	sld [smem:$0x3FAA]  }
0x2c: {  	s7 =	sld [smem:$0x3FAB]  }
0x2d: {  	s3 =	simm.s32 $0x108;
	s8 =	sld [smem:$0x3FAC]  }
0x2e: {  	s3 =	simm.s32 @!p0 $0x1082;
	s9 =	sld [smem:$0x3FAD]  }
0x2f: {  	lr =	sadd.s32 s0, s3;
	s0 =	sld [smem:$0x3FA4]  }
0x30: {  	s3 =	sld [smem:$0x3FA7]  }
0x31: {  	[smem:$0x3FB0] =	sst s10  }
0x32: {  	s10 =	sld [smem:$0x3FAE];
	_ =	sdelay $0x3  }
0x33: {  	p0 =	seq.s32 s10, $0x1;
	s10 =	sld [smem:$0x3FB0];
	_ =	sdelay $0x3  }
0x34: {  	[smem:$0x3FB0] =	sst s10  }
0x35: {  	s10 =	sld [smem:$0x3FAF];
	_ =	sdelay $0x3  }
0x36: {  	p1 =	seq.s32 s10, $0x1;
	s10 =	sld [smem:$0x3FB0];
	_ =	sdelay $0x3  }
0x37: {  	[smem:$0x3FB0] =	sst s10  }
0x38: {  	s10 =	sld [smem:$0x3FB1]  }
0x39: {  	_ = 	snop;
	(pc) =	sbr.ind lr, $3  }
0x3a: {  	_ = 	snop  }
0x3b: {  	_ = 	snop  }
0x3c: {  	p2 =	seq.s32 s10, $0x1;
	s10 =	sld [smem:$0x3FB0]  }
0x3d: {  	_ =	shalt  }
0x3e: {  	_ =	shalt  }
0x3f: {  	_ =	shalt  }
0x40: {  	_ =	shalt  }
0x41: {  	_ =	shalt  }
0x42: {  	_ =	shalt  }
0x43: {  	_ =	shalt  }
0x44: {  	_ =	shalt  }
0x45: {  	_ =	shalt  }
0x46: {  	_ =	shalt  }
0x47: {  	_ =	shalt  }
0x48: {  	_ =	shalt  }
0x49: {  	_ =	shalt  }
0x4a: {  	_ =	shalt  }
0x4b: {  	_ =	shalt  }
0x4c: {  	_ =	shalt  }
0x4d: {  	_ =	shalt  }
0x4e: {  	_ =	shalt  }
0x4f: {  	_ =	shalt  }
0x50: {  	_ =	shalt  }
0x51: {  	_ =	shalt  }
0x52: {  	_ =	shalt  }
0x53: {  	_ =	shalt  }
0x54: {  	_ =	shalt  }
0x55: {  	_ =	shalt  }
0x56: {  	_ =	shalt  }
0x57: {  	_ =	shalt  }
0x58: {  	_ =	shalt  }
0x59: {  	_ =	shalt  }
0x5a: {  	_ =	shalt  }
0x5b: {  	_ =	shalt  }
0x5c: {  	_ =	shalt  }
0x5d: {  	_ =	shalt  }
0x5e: {  	_ =	shalt  }
0x5f: {  	_ =	shalt  }
0x60: {  	_ =	shalt  }
0x61: {  	_ =	shalt  }
0x62: {  	_ =	shalt  }
0x63: {  	_ =	shalt  }
0x64: {  	_ =	shalt  }
0x65: {  	_ =	shalt  }
0x66: {  	_ =	shalt  }
0x67: {  	_ =	shalt  }
0x68: {  	_ =	shalt  }
0x69: {  	_ =	shalt  }
0x6a: {  	_ =	shalt  }
0x6b: {  	_ =	shalt  }
0x6c: {  	_ =	shalt  }
0x6d: {  	_ =	shalt  }
0x6e: {  	_ =	shalt  }
0x6f: {  	_ =	shalt  }
0x70: {  	_ =	shalt  }
0x71: {  	_ =	shalt  }
0x72: {  	_ =	shalt  }
0x73: {  	_ =	shalt  }
0x74: {  	_ =	shalt  }
0x75: {  	_ =	shalt  }
0x76: {  	_ =	shalt  }
0x77: {  	_ =	shalt  }
0x78: {  	_ =	shalt  }
0x79: {  	_ =	shalt  }
0x7a: {  	_ =	shalt  }
0x7b: {  	_ =	shalt  }
0x7c: {  	_ =	shalt  }
0x7d: {  	_ =	shalt  }
0x7e: {  	_ =	shalt  }
0x7f: {  	_ =	shalt  }
0x80: {  	_ =	shalt  }
0x81: {  	_ =	shalt  }
0x82: {  	_ =	shalt  }
0x83: {  	_ =	shalt  }
0x84: {  	_ =	shalt  }
0x85: {  	_ =	shalt  }
0x86: {  	_ =	shalt  }
0x87: {  	_ =	shalt  }
.Lfunc_end0:
.L_simem_size_0:
called_computation_lowered:
.L_overlay_start_0:
0x88: {  	s2 =	sld [smem:$0x3FD9]  }
0x89: {  	s3 =	sld [smem:$0x3FFE];
	_ =	sdelay $0x1  }
0x8a: {  	s1 =	srdreg.scid  }
0x8b: {  	s0 =	sand.u32 $0x1, s1  }
0x8c: {  	s17 =	sshll.u32 s0, $0xA;
	s2 =	sadd.s32 s3, s2  }
0x8d: {  	s2 =	sadd.s32 s2, s17  }
0x8e: {  	[smem:$0x3FBC] =	sst s2  }
0x8f: {  	_ = 	snop  }
0x90: {  	s2 =	sld [smem:$0x3FC9]  }
0x91: {  	s18 =	sld [smem:$0x3FC7]  }
0x92: {  	s4 =	sld [smem:$0x3FC6];
	(tm) =	ssettm $0x1  }
0x93: {  	s5 =	sld [smem:$0x3FFB];
	_ =	sdelay $0x3  }
0x94: {  	_ =	strace s5  }
0x95: {  	s5 =	sld [smem:$0x3FFC];
	_ =	sdelay $0x3  }
0x96: {  	_ =	strace s5  }
0x97: {  	s5 =	sld [smem:$0x3FFD];
	_ =	sdelay $0x3  }
0x98: {  	_ =	strace s5  }
0x99: {  	_ =	strace $0x8FFFFFFF  }
0x9a: {  	s19 =	sld [smem:$0x3FDB];
	_ =	sdelay $0x1  }
0x9b: {  	s6 =	simm.s32 $_scs_section_size  }
0x9c: {  	s7 =	simm.s32 $_size__tile_overlayer_lowered;
	s8 =	simm.s32 $_tile_overlayer_lowered  }
0x9d: {  	s22 =	simm.s32 $0x1BFF;
	s21 =	sshll.u32 s8, $0x1;
	s5 =	sadd.s32 s6, s19  }
0x9e: {  	s9 =	simm.s32 $0x0;
	s20 =	sshll.u32 s7, $0x1;
	s7 =	sadd.s32 s21, s5  }
0x9f: {  	[timem:s9], [sflag:s22] =	dma.local [hbm:s7], s20  }
0xa0: {  	_ =	swait.ge [sflag:s22], s20  }
0xa1: {  	s6 =	ssub.s32 $0x0, s20;
	[sflag:s22] =	ssyncset.done $0x0  }
0xa2: {  	[sflag:s22] =	ssyncadd.s32 s6;
	_ =	sdelay $0x1  }
0xa3: {  	s23 =	simm.s32 $0x1B8B  }
0xa4: {  	_ =	swait.ge [sflag:s23], $0x1  }
0xa5: {  	[sflag:s23] =	ssyncset.done $0x0  }
0xa6: {  	s25 =	simm.s32 $0x1B8E;
	s24 =	sld [smem:$0x3FFE];
	[sflag:s23] =	ssyncadd.s32 $0xFFFFFFFF  }
0xa7: {  	s26 =	simm.s32 $execute0_lowered;
	[smem:$0x3FD2] =	sst s25  }
0xa8: {  	s7 =	sshll.u32 s26, $0x1;
	_ =	strace $0x80000046;
	[dreg:$0x1] =	wrdreg $0xFFFFFFFF  }
0xa9: {  	s28 =	simm.s32 $_size_execute0_lowered;
	s5 =	sadd.s32 s5, s7;
	[dreg:$0x0] =	wrdreg $0x0  }
0xaa: {  	s7 =	sshll.u32 s28, $0x1;
	[dreg:$0x2] =	wrdreg s5  }
0xab: {  	[dreg:$0x3] =	wrdreg s7  }
0xac: {  	[dreg:$0x4] =	wrdreg $0xC0  }
0xad: {  	_ =	task [dreg:s9], $0x5FFFF  }
0xae: {  	[dreg:$0x1] =	wrdreg $0xFFFFFFFF  }
0xaf: {  	[dreg:$0x0] =	wrdreg $0x60  }
0xb0: {  	[dreg:$0x2] =	wrdreg s18  }
0xb1: {  	[dreg:$0x3] =	wrdreg s4  }
0xb2: {  	[dreg:$0x4] =	wrdreg s2  }
0xb3: {  	[dreg:$0x5] =	wrdreg s24  }
0xb4: {  	[dreg:$0x6] =	wrdreg $0x9  }
0xb5: {  	_ =	task.clear_ibuf [dreg:s9], $0x7FFFF;
	_ =	strace $0x90000046  }
0xb6: {  	s29 =	simm.s32 $0x9;
	_ =	strace $0x80000048  }
0xb7: {  	_ =	swait.ge [sflag:s29], $0x1  }
0xb8: {  	[sflag:s29] =	ssyncadd.s32 $0xFFFFFFFF  }
0xb9: {  	_ =	strace $0x90000048  }
0xba: {  	_ =	sfence  }
0xbb: {  	s30 =	sld [smem:$0x0];
	_ =	sdelay $0x2  }
0xbc: {  	s31 =	sshll.u32 s1, $0xD;
	s1 =	sshrl.u32 s1, $0x2  }
0xbd: {  	s3 =	sand.u32 $0x4000, s31;
	s1 =	sadd.s32 s1, s30  }
0xbe: {  	s0 =	sor.u32 s3, s0;
	s1 =	sshll.u32 s1, $0x11  }
0xbf: {  	s0 =	sor.u32 s1, s0  }
0xc0: {  	s0 =	sadd.s32 $0x8F2B, s0  }
0xc1: {  	[sflag:s0] =	ssyncadd.remote.s32 $0x1  }
0xc2: {  	_ =	sfence.sel $0xFFFF  }
0xc3: {  	[dreg:$0x0] =	wrdreg $0xFFFFFFFF;
	(pc) =	sbr.abs _section_cstart, $3  }
0xc4: {  	[dreg:$0x1] =	wrdreg $0xFFFFFFFF  }
0xc5: {  	_ =	task.clear_ibuf [dreg:s9], $0x2FFFF;
	_ =	strace $0x9FFFFFFF  }
0xc6: {  	(tm) =	ssettm $0x7FFFFFFF  }
0xc7: {  	_ =	shalt  }
tec
execute0_lowered:
.L_overlay_start_1:
0x0: {  	(tag) =	ssettag $0x1  }
0x1: {  	s1 =	rddreg [dreg:$0x0]  }
0x2: {  	s2 =	rddreg [dreg:$0x1]  }
0x3: {  	s3 =	srdreg.scid;
	s4 =	rddreg [dreg:$0x2]  }
0x4: {  	s0 =	stileid.u32;
	s9 =	rddreg [dreg:$0x3];
	s11 =	simm.s32 $0x80  }
0x5: {  	s12 =	simm.s32 $0x400;
	s13 =	simm.s32 $0x18700;
	s14 =	simm.s32 $0x3  }
0x6: {  	s15 =	simm.s32 $0x1C700;
	s3 =	sand.u32 $0x1, s3;
	s5 =	sshll.u32 s0, $0x1  }
0x7: {  	s16 =	simm.s32 $0x1CF00;
	s17 =	simm.s32 $0x1;
	s6 =	sor.u32 s3, s5  }
0x8: {  	s18 =	simm.s32 $0x2;
	s19 =	simm.s32 $0x0;
	s6 =	smul.u32 $0x1BA, s6  }
.Ltmp0:
0x9: {  	s5 =	simm.s32 $0x0;
	s3 =	ssub.s32 $0x2, s3;
	(pc) =	sbr.rel .LBB2_1-.Ltmp0, $4  }
0xa: {  	[smem:$0x7FF] =	sst s5;
	s8 =	sshrl.u32 s3, $0x1;
	s7 =	sadd.s32 $0x1BA, s6  }
0xb: {  	_ =	strace $0x80000047;
	s6 =	sshrl.u32 s6, $0x5;
	s10 =	sshrl.u32 s7, $0x5  }
0xc: {  	s3 =	ssub.s32 s3, s8;
	s7 =	sadd.s32 $0x11800, s9;
	s8 =	ssub.s32 s10, s6  }
0xd: {  	s9 =	sadd.s32 $0x1800, s9;
	s10 =	smax.u32 s3, $0x1;
	p0 =	slt.s32 s8, $0x1  }
.LBB2_17:
0xe: {  	s19 =	sadd.s32 $0x1, s19  }
0xf: {  	_ =	swait.ge [sflag:s17], $0x800;
	p1 =	sne.s32 s19, s10  }
.Ltmp1:
0x10: {  	[sflag:s17] =	ssyncset.done $0x0;
	(pc) =	sbr.rel @!p1 .LBB2_18-.Ltmp1, $4  }
0x11: {  	[sflag:s17] =	ssyncadd.s32 $0xFFFFF800  }
0x12: {  	_ =	swait.ge [sflag:s18], $0x800  }
0x13: {  	[sflag:s18] =	ssyncset.done $0x0  }
0x14: {  	[sflag:s18] =	ssyncadd.s32 $0xFFFFF800  }
.LBB2_1:
.Ltmp2:
0x15: {  	(pc) =	sbr.rel @!p0 .LBB2_2-.Ltmp2, $4  }
.Ltmp3:
0x16: {  	(pc) =	sbr.rel @p0 .LBB2_17-.Ltmp3, $4  }
0x17: {  	_ = 	snop  }
0x18: {  	_ = 	snop  }
0x19: {  	s20 =	simm.s32 $0x0  }
0x1a: {  	_ = 	snop  }
.LBB2_16:
0x1b: {  	s20 =	sadd.s32 $0x1, s20  }
0x1c: {  	p1 =	sne.s32 s20, s8  }
.Ltmp4:
0x1d: {  	_ = 	snop;
	(pc) =	sbr.rel @!p1 .LBB2_17-.Ltmp4, $1  }
0x1e: {  	_ =	sdelay $0x3  }
.LBB2_2:
0x1f: {  	s3 =	sadd.s32 s6, s20  }
0x20: {  	s21 =	smulhi.u32 $0xF0F0F0F1, s3;
	_ =	sdelay $0x1  }
0x21: {  	s21 =	sshrl.u32 s21, $0x4  }
0x22: {  	s22 =	smul.u32 $0xFFFFFFEF, s21;
	_ =	sdelay $0x1  }
0x23: {  	p1 =	seq.s32 s20, $0x0;
	s22 =	sadd.s32 s3, s22  }
0x24: {  	p2 =	sne.s32 @!p1 s22, $0x0  }
0x25: {  	p1 =	por p1, !p2  }
0x26: {  	s3 =	sshll.u32 @p1 s21, $0xE;
	s23 =	sshll.u32 @p1 s21, $0x7  }
0x27: {  	s3 =	sand.u32 @p1 $0xFFFE0000, s3;
	s23 =	sand.u32 @p1 $0x380, s23  }
0x28: {  	s3 =	sor.u32 @p1 s23, s3  }
0x29: {  	s3 =	sshrl.u32 @p1 s3, $0x3  }
0x2a: {  	s3 =	sadd.s32 @p1 s4, s3  }
0x2b: {  	[tilespmem:s13], [sflag:$0x3] =	stream.strided.gather @p1 [hbm4b:s3+s11], $0x4000, s12, s11, $0x38;
	[tilespmem:$0x1D700] =	vst v63  }
0x2c: {  	_ =	swait.ge @p1 [sflag:s14], $0x4000  }
0x2d: {  	[sflag:s14] =	ssyncset.done @p1 $0x0  }
0x2e: {  	[sflag:s14] =	ssyncadd.s32 @p1 $0xFFFFC000;
	p1 =	sgt.s32 s22, $0xF  }
.Ltmp5:
0x2f: {  	_ = 	snop;
	(pc) =	sbr.rel @p1 .LBB2_9-.Ltmp5, $1  }
0x30: {  	_ =	sdelay $0x3  }
0x31: {  	s3 =	sshll.u32 s21, $0x4  }
0x32: {  	s3 =	sadd.s32 s3, s22  }
0x33: {  	s3 =	sshrl.u32 s3, $0x3  }
0x34: {  	s23 =	sshll.u32 s22, $0x7;
	s24 =	smul.u32 $0xC3800, s3  }
0x35: {  	s25 =	sand.u32 $0x380, s23  }
0x36: {  	s23 =	sor.u32 s25, s24  }
0x37: {  	s23 =	sshrl.u32 s23, $0x3  }
0x38: {  	s3 =	sshll.u32 s3, $0x11;
	s31 =	sadd.s32 s1, s23;
	s23 =	simm.s32 $0x0  }
0x39: {  	[tilespmem:s23], [sflag:$0x3] =	stream.strided.gather [hbm4b:s31+s11], $0x18700, s12, s11, $0x38;
	[tilespmem:$0x1D700] =	vst v63  }
0x3a: {  	s24 =	sor.u32 s25, s3;
	_ =	swait.ge [sflag:s14], $0x18700  }
0x3b: {  	s26 =	simm.s32 $0x18740;
	s3 =	sshrl.u32 s24, $0x3;
	[sflag:s14] =	ssyncset.done $0x0  }
0x3c: {  	s28 =	simm.s32 $0x18F70;
	s25 =	sadd.s32 s7, s3;
	[sflag:s14] =	ssyncadd.s32 $0xFFFE7900  }
.LBB2_4:
0x3d: {  	s3 =	sor.u32 s20, s23  }
0x3e: {  	p1 =	seq.s32 s3, $0x0  }
0x3f: {  	s3 =	simm.s32 @!p1 $0x1  }
0x40: {  	_ =	swait.ge @!p1 [sflag:s3], $0x800  }
0x41: {  	[sflag:s3] =	ssyncset.done @!p1 $0x0  }
0x42: {  	[sflag:s3] =	ssyncadd.s32 @!p1 $0xFFFFF800  }
0x43: {  	v0 =	vld [tilespmem:s26+$0x30]  }
0x44: {  	v1 =	vld [tilespmem:s26+$0xFFFFFFD0]  }
0x45: {  	v2 =	vld [tilespmem:s26+$0xFFFFFFE0]  }
0x46: {  	v3 =	vld [tilespmem:s26+$0xFFFFFFF0]  }
0x47: {  	v6 =	vld [tilespmem:s26+$0x0]  }
0x48: {  	v7 =	vld [tilespmem:s26+$0x10]  }
0x49: {  	v8 =	vld [tilespmem:s26+$0x20]  }
0x4a: {  	v9 =	vld [tilespmem:s26+$0xFFFFFFC0]  }
0x4b: {  	v10 =	vld.idx.msk [tilespmem:v0+s5+$0x0], $0xffff  }
0x4c: {  	v11 =	vld.idx.msk [tilespmem:v1+s5+$0x0], $0xffff  }
0x4d: {  	v5 =	vld.idx.msk [tilespmem:v2+s5+$0x0], $0xffff  }
0x4e: {  	v4 =	vld.idx.msk [tilespmem:v3+s5+$0x0], $0xffff  }
0x4f: {  	v2 =	vld.idx.msk [tilespmem:v6+s5+$0x0], $0xffff  }
0x50: {  	s30 =	simm.s32 $0x1C740;
	v1 =	vld.idx.msk [tilespmem:v7+s5+$0x0], $0xffff  }
0x51: {  	v0 =	vld.idx.msk [tilespmem:v8+s5+$0x0], $0xffff;
	[tilespmem:s30+$0x30] =	vst v10  }
0x52: {  	s29 =	sshll.u32 s23, $0xC;
	s31 =	simm.s32 $0x0;
	s3 =	sadd.s32 $0x80, s26;
	v3 =	vld.idx.msk [tilespmem:v9+s5+$0x0], $0xffff;
	[tilespmem:s30+$0xFFFFFFD0] =	vst v11  }
.LBB2_5:
0x53: {  	v6 =	vld [tilespmem:s3+$0x30];
	s31 =	sadd.s32 $0x80, s31;
	[tilespmem:s30+$0xFFFFFFE0] =	vst v5  }
0x54: {  	v5 =	vld [tilespmem:s3+$0xFFFFFFD0];
	p2 =	slt.u32 s31, $0x780;
	[tilespmem:s30+$0xFFFFFFF0] =	vst v4  }
0x55: {  	v4 =	vld [tilespmem:s3+$0xFFFFFFE0];
	[tilespmem:s30+$0x0] =	vst v2  }
0x56: {  	v2 =	vld [tilespmem:s3+$0xFFFFFFF0];
	[tilespmem:s30+$0x10] =	vst v1  }
0x57: {  	v1 =	vld [tilespmem:s3+$0x0];
	[tilespmem:s30+$0x20] =	vst v0  }
0x58: {  	v0 =	vld [tilespmem:s3+$0x10];
	[tilespmem:s30+$0xFFFFFFC0] =	vst v3  }
0x59: {  	v3 =	vld [tilespmem:s3+$0x20]  }
0x5a: {  	v7 =	vld [tilespmem:s3+$0xFFFFFFC0]  }
0x5b: {  	v6 =	vld.idx.msk [tilespmem:v6+s5+$0x0], $0xffff  }
0x5c: {  	v8 =	vld.idx.msk [tilespmem:v5+s5+$0x0], $0xffff  }
0x5d: {  	v5 =	vld.idx.msk [tilespmem:v4+s5+$0x0], $0xffff  }
.Ltmp6:
0x5e: {  	v4 =	vld.idx.msk [tilespmem:v2+s5+$0x0], $0xffff;
	(pc) =	sbr.rel @p2 .LBB2_5-.Ltmp6, $4  }
0x5f: {  	v2 =	vld.idx.msk [tilespmem:v1+s5+$0x0], $0xffff  }
0x60: {  	s30 =	sadd.s32 $0x80, s30;
	v1 =	vld.idx.msk [tilespmem:v0+s5+$0x0], $0xffff  }
0x61: {  	v0 =	vld.idx.msk [tilespmem:v3+s5+$0x0], $0xffff;
	[tilespmem:s30+$0x30] =	vst v6  }
0x62: {  	s3 =	sadd.s32 $0x80, s3;
	v3 =	vld.idx.msk [tilespmem:v7+s5+$0x0], $0xffff;
	[tilespmem:s30+$0xFFFFFFD0] =	vst v8  }
0x63: {  	[tilespmem:s30+$0xFFFFFFE0] =	vst v5  }
0x64: {  	[tilespmem:s30+$0xFFFFFFF0] =	vst v4  }
0x65: {  	s3 =	sshll.u32 s23, $0xF;
	[tilespmem:s30+$0x0] =	vst v2  }
0x66: {  	s3 =	sadd.s32 s24, s3;
	[tilespmem:s30+$0x10] =	vst v1  }
0x67: {  	s3 =	sshrl.u32 s3, $0x3;
	[tilespmem:s30+$0x20] =	vst v0  }
0x68: {  	s3 =	sadd.s32 s7, s3;
	[tilespmem:s30+$0xFFFFFFC0] =	vst v3  }
0x69: {  	[hbm4b:s3+s11] =	stream.strided.scatter [tilespmem:s15], [sflag:$0x1], $0x800, s12, s11, $0x38;
	[tilespmem:$0x1D700] =	vst v63  }
0x6a: {  	s3 =	simm.s32 @!p1 $0x2  }
0x6b: {  	_ =	swait.ge @!p1 [sflag:s3], $0x800  }
0x6c: {  	[sflag:s3] =	ssyncset.done @!p1 $0x0  }
0x6d: {  	[sflag:s3] =	ssyncadd.s32 @!p1 $0xFFFFF800  }
0x6e: {  	v0 =	vld [tilespmem:s28+$0x0]  }
0x6f: {  	v1 =	vld [tilespmem:s28+$0xFFFFFFA0]  }
0x70: {  	v2 =	vld [tilespmem:s28+$0xFFFFFFB0]  }
0x71: {  	v3 =	vld [tilespmem:s28+$0xFFFFFFC0]  }
0x72: {  	v5 =	vld [tilespmem:s28+$0xFFFFFFD0]  }
0x73: {  	v6 =	vld [tilespmem:s28+$0xFFFFFFE0]  }
0x74: {  	v7 =	vld [tilespmem:s28+$0xFFFFFFF0]  }
0x75: {  	v8 =	vld [tilespmem:s28+$0xFFFFFF90]  }
0x76: {  	v9 =	vld.idx.msk [tilespmem:v0+s5+$0x0], $0xffff  }
0x77: {  	v10 =	vld.idx.msk [tilespmem:v1+s5+$0x0], $0xffff  }
0x78: {  	v4 =	vld.idx.msk [tilespmem:v2+s5+$0x0], $0xffff  }
0x79: {  	v3 =	vld.idx.msk [tilespmem:v3+s5+$0x0], $0xffff  }
0x7a: {  	v0 =	vld.idx.msk [tilespmem:v5+s5+$0x0], $0xffff  }
0x7b: {  	s30 =	simm.s32 $0x1CF40;
	v1 =	vld.idx.msk [tilespmem:v6+s5+$0x0], $0xffff  }
0x7c: {  	v2 =	vld.idx.msk [tilespmem:v7+s5+$0x0], $0xffff;
	[tilespmem:s30+$0x30] =	vst v9  }
0x7d: {  	s29 =	sor.u32 $0x800, s29;
	s31 =	simm.s32 $0x0;
	s3 =	sadd.s32 $0x80, s28;
	v5 =	vld.idx.msk [tilespmem:v8+s5+$0x0], $0xffff;
	[tilespmem:s30+$0xFFFFFFD0] =	vst v10  }
.LBB2_7:
0x7e: {  	v6 =	vld [tilespmem:s3+$0x0];
	s31 =	sadd.s32 $0x80, s31;
	[tilespmem:s30+$0xFFFFFFE0] =	vst v4  }
0x7f: {  	v4 =	vld [tilespmem:s3+$0xFFFFFFA0];
	p1 =	slt.u32 s31, $0x780;
	[tilespmem:s30+$0xFFFFFFF0] =	vst v3  }
0x80: {  	v3 =	vld [tilespmem:s3+$0xFFFFFFB0];
	[tilespmem:s30+$0x0] =	vst v0  }
0x81: {  	v0 =	vld [tilespmem:s3+$0xFFFFFFC0];
	[tilespmem:s30+$0x10] =	vst v1  }
0x82: {  	v1 =	vld [tilespmem:s3+$0xFFFFFFD0];
	[tilespmem:s30+$0x20] =	vst v2  }
0x83: {  	v2 =	vld [tilespmem:s3+$0xFFFFFFE0];
	[tilespmem:s30+$0xFFFFFFC0] =	vst v5  }
0x84: {  	v5 =	vld [tilespmem:s3+$0xFFFFFFF0]  }
0x85: {  	v7 =	vld [tilespmem:s3+$0xFFFFFF90]  }
0x86: {  	v6 =	vld.idx.msk [tilespmem:v6+s5+$0x0], $0xffff  }
0x87: {  	v8 =	vld.idx.msk [tilespmem:v4+s5+$0x0], $0xffff  }
0x88: {  	v4 =	vld.idx.msk [tilespmem:v3+s5+$0x0], $0xffff  }
.Ltmp7:
0x89: {  	v3 =	vld.idx.msk [tilespmem:v0+s5+$0x0], $0xffff;
	(pc) =	sbr.rel @p1 .LBB2_7-.Ltmp7, $4  }
0x8a: {  	v0 =	vld.idx.msk [tilespmem:v1+s5+$0x0], $0xffff  }
0x8b: {  	s30 =	sadd.s32 $0x80, s30;
	v1 =	vld.idx.msk [tilespmem:v2+s5+$0x0], $0xffff  }
0x8c: {  	v2 =	vld.idx.msk [tilespmem:v5+s5+$0x0], $0xffff;
	[tilespmem:s30+$0x30] =	vst v6  }
0x8d: {  	s3 =	sadd.s32 $0x80, s3;
	v5 =	vld.idx.msk [tilespmem:v7+s5+$0x0], $0xffff;
	[tilespmem:s30+$0xFFFFFFD0] =	vst v8  }
0x8e: {  	[tilespmem:s30+$0xFFFFFFE0] =	vst v4;
	s23 =	sadd.s32 $0x1, s23  }
0x8f: {  	[tilespmem:s30+$0xFFFFFFF0] =	vst v3;
	p1 =	sne.s32 s23, $0x4  }
.Ltmp8:
0x90: {  	[tilespmem:s30+$0x0] =	vst v0;
	(pc) =	sbr.rel @p1 .LBB2_4-.Ltmp8, $4  }
0x91: {  	[tilespmem:s30+$0x10] =	vst v1  }
0x92: {  	[tilespmem:s30+$0x20] =	vst v2  }
0x93: {  	s3 =	sadd.s32 s25, s29;
	s26 =	sadd.s32 $0x1000, s26;
	s28 =	sadd.s32 $0x1000, s28;
	[tilespmem:s30+$0xFFFFFFC0] =	vst v5  }
0x94: {  	[hbm4b:s3+s11] =	stream.strided.scatter [tilespmem:s16], [sflag:$0x2], $0x800, s12, s11, $0x38;
	[tilespmem:$0x1D700] =	vst v63  }
.LBB2_9:
0x95: {  	p1 =	sne.s32 s22, $0x10  }
.Ltmp9:
0x96: {  	_ = 	snop;
	(pc) =	sbr.rel @p1 .LBB2_16-.Ltmp9, $1  }
0x97: {  	_ =	sdelay $0x3  }
0x98: {  	s3 =	sshrl.u32 s21, $0x3  }
0x99: {  	s30 =	sshll.u32 s21, $0x7;
	s22 =	smul.u32 $0xC3800, s3  }
0x9a: {  	s23 =	sand.u32 $0x380, s30  }
0x9b: {  	s21 =	sor.u32 s23, s22  }
0x9c: {  	s21 =	sshrl.u32 s21, $0x3  }
0x9d: {  	s3 =	sshll.u32 s3, $0x11;
	s31 =	sadd.s32 s2, s21;
	s21 =	simm.s32 $0x0  }
0x9e: {  	[tilespmem:s21], [sflag:$0x3] =	stream.strided.gather [hbm4b:s31+s11], $0x18700, s12, s11, $0x38;
	[tilespmem:$0x1D700] =	vst v63  }
0x9f: {  	s22 =	sor.u32 s23, s3;
	_ =	swait.ge [sflag:s14], $0x18700  }
0xa0: {  	s24 =	simm.s32 $0x18740;
	s3 =	sshrl.u32 s22, $0x3;
	[sflag:s14] =	ssyncset.done $0x0  }
0xa1: {  	s25 =	simm.s32 $0x18F70;
	s23 =	sadd.s32 s9, s3;
	[sflag:s14] =	ssyncadd.s32 $0xFFFE7900  }
.LBB2_11:
0xa2: {  	s3 =	sor.u32 s20, s21  }
0xa3: {  	p1 =	seq.s32 s3, $0x0  }
0xa4: {  	s3 =	simm.s32 @!p1 $0x1  }
0xa5: {  	_ =	swait.ge @!p1 [sflag:s3], $0x800  }
0xa6: {  	[sflag:s3] =	ssyncset.done @!p1 $0x0  }
0xa7: {  	[sflag:s3] =	ssyncadd.s32 @!p1 $0xFFFFF800  }
0xa8: {  	v0 =	vld [tilespmem:s24+$0x30]  }
0xa9: {  	v1 =	vld [tilespmem:s24+$0xFFFFFFD0]  }
0xaa: {  	v2 =	vld [tilespmem:s24+$0xFFFFFFE0]  }
0xab: {  	v3 =	vld [tilespmem:s24+$0xFFFFFFF0]  }
0xac: {  	v6 =	vld [tilespmem:s24+$0x0]  }
0xad: {  	v7 =	vld [tilespmem:s24+$0x10]  }
0xae: {  	v8 =	vld [tilespmem:s24+$0x20]  }
0xaf: {  	v9 =	vld [tilespmem:s24+$0xFFFFFFC0]  }
0xb0: {  	v10 =	vld.idx.msk [tilespmem:v0+s5+$0x0], $0xffff  }
0xb1: {  	v11 =	vld.idx.msk [tilespmem:v1+s5+$0x0], $0xffff  }
0xb2: {  	v5 =	vld.idx.msk [tilespmem:v2+s5+$0x0], $0xffff  }
0xb3: {  	v4 =	vld.idx.msk [tilespmem:v3+s5+$0x0], $0xffff  }
0xb4: {  	v2 =	vld.idx.msk [tilespmem:v6+s5+$0x0], $0xffff  }
0xb5: {  	s28 =	simm.s32 $0x1C740;
	v1 =	vld.idx.msk [tilespmem:v7+s5+$0x0], $0xffff  }
0xb6: {  	v0 =	vld.idx.msk [tilespmem:v8+s5+$0x0], $0xffff;
	[tilespmem:s28+$0x30] =	vst v10  }
0xb7: {  	s26 =	sshll.u32 s21, $0xC;
	s29 =	simm.s32 $0x0;
	s3 =	sadd.s32 $0x80, s24;
	v3 =	vld.idx.msk [tilespmem:v9+s5+$0x0], $0xffff;
	[tilespmem:s28+$0xFFFFFFD0] =	vst v11  }
.LBB2_12:
0xb8: {  	v6 =	vld [tilespmem:s3+$0x30];
	s29 =	sadd.s32 $0x80, s29;
	[tilespmem:s28+$0xFFFFFFE0] =	vst v5  }
0xb9: {  	v5 =	vld [tilespmem:s3+$0xFFFFFFD0];
	p2 =	slt.u32 s29, $0x780;
	[tilespmem:s28+$0xFFFFFFF0] =	vst v4  }
0xba: {  	v4 =	vld [tilespmem:s3+$0xFFFFFFE0];
	[tilespmem:s28+$0x0] =	vst v2  }
0xbb: {  	v2 =	vld [tilespmem:s3+$0xFFFFFFF0];
	[tilespmem:s28+$0x10] =	vst v1  }
0xbc: {  	v1 =	vld [tilespmem:s3+$0x0];
	[tilespmem:s28+$0x20] =	vst v0  }
0xbd: {  	v0 =	vld [tilespmem:s3+$0x10];
	[tilespmem:s28+$0xFFFFFFC0] =	vst v3  }
0xbe: {  	v3 =	vld [tilespmem:s3+$0x20]  }
0xbf: {  	v7 =	vld [tilespmem:s3+$0xFFFFFFC0]  }
0xc0: {  	v6 =	vld.idx.msk [tilespmem:v6+s5+$0x0], $0xffff  }
0xc1: {  	v8 =	vld.idx.msk [tilespmem:v5+s5+$0x0], $0xffff  }
0xc2: {  	v5 =	vld.idx.msk [tilespmem:v4+s5+$0x0], $0xffff  }
.Ltmp10:
0xc3: {  	v4 =	vld.idx.msk [tilespmem:v2+s5+$0x0], $0xffff;
	(pc) =	sbr.rel @p2 .LBB2_12-.Ltmp10, $4  }
0xc4: {  	v2 =	vld.idx.msk [tilespmem:v1+s5+$0x0], $0xffff  }
0xc5: {  	s28 =	sadd.s32 $0x80, s28;
	v1 =	vld.idx.msk [tilespmem:v0+s5+$0x0], $0xffff  }
0xc6: {  	v0 =	vld.idx.msk [tilespmem:v3+s5+$0x0], $0xffff;
	[tilespmem:s28+$0x30] =	vst v6  }
0xc7: {  	s3 =	sadd.s32 $0x80, s3;
	v3 =	vld.idx.msk [tilespmem:v7+s5+$0x0], $0xffff;
	[tilespmem:s28+$0xFFFFFFD0] =	vst v8  }
0xc8: {  	[tilespmem:s28+$0xFFFFFFE0] =	vst v5  }
0xc9: {  	[tilespmem:s28+$0xFFFFFFF0] =	vst v4  }
0xca: {  	s3 =	sshll.u32 s21, $0xF;
	[tilespmem:s28+$0x0] =	vst v2  }
0xcb: {  	s3 =	sadd.s32 s22, s3;
	[tilespmem:s28+$0x10] =	vst v1  }
0xcc: {  	s3 =	sshrl.u32 s3, $0x3;
	[tilespmem:s28+$0x20] =	vst v0  }
0xcd: {  	s3 =	sadd.s32 s9, s3;
	[tilespmem:s28+$0xFFFFFFC0] =	vst v3  }
0xce: {  	[hbm4b:s3+s11] =	stream.strided.scatter [tilespmem:s15], [sflag:$0x1], $0x800, s12, s11, $0x38;
	[tilespmem:$0x1D700] =	vst v63  }
0xcf: {  	s3 =	simm.s32 @!p1 $0x2  }
0xd0: {  	_ =	swait.ge @!p1 [sflag:s3], $0x800  }
0xd1: {  	[sflag:s3] =	ssyncset.done @!p1 $0x0  }
0xd2: {  	[sflag:s3] =	ssyncadd.s32 @!p1 $0xFFFFF800  }
0xd3: {  	v0 =	vld [tilespmem:s25+$0x0]  }
0xd4: {  	v1 =	vld [tilespmem:s25+$0xFFFFFFA0]  }
0xd5: {  	v2 =	vld [tilespmem:s25+$0xFFFFFFB0]  }
0xd6: {  	v3 =	vld [tilespmem:s25+$0xFFFFFFC0]  }
0xd7: {  	v5 =	vld [tilespmem:s25+$0xFFFFFFD0]  }
0xd8: {  	v6 =	vld [tilespmem:s25+$0xFFFFFFE0]  }
0xd9: {  	v7 =	vld [tilespmem:s25+$0xFFFFFFF0]  }
0xda: {  	v8 =	vld [tilespmem:s25+$0xFFFFFF90]  }
0xdb: {  	v9 =	vld.idx.msk [tilespmem:v0+s5+$0x0], $0xffff  }
0xdc: {  	v10 =	vld.idx.msk [tilespmem:v1+s5+$0x0], $0xffff  }
0xdd: {  	v4 =	vld.idx.msk [tilespmem:v2+s5+$0x0], $0xffff  }
0xde: {  	v3 =	vld.idx.msk [tilespmem:v3+s5+$0x0], $0xffff  }
0xdf: {  	v0 =	vld.idx.msk [tilespmem:v5+s5+$0x0], $0xffff  }
0xe0: {  	s28 =	simm.s32 $0x1CF40;
	v1 =	vld.idx.msk [tilespmem:v6+s5+$0x0], $0xffff  }
0xe1: {  	v2 =	vld.idx.msk [tilespmem:v7+s5+$0x0], $0xffff;
	[tilespmem:s28+$0x30] =	vst v9  }
0xe2: {  	s26 =	sor.u32 $0x800, s26;
	s29 =	simm.s32 $0x0;
	s3 =	sadd.s32 $0x80, s25;
	v5 =	vld.idx.msk [tilespmem:v8+s5+$0x0], $0xffff;
	[tilespmem:s28+$0xFFFFFFD0] =	vst v10  }
.LBB2_14:
0xe3: {  	v6 =	vld [tilespmem:s3+$0x0];
	s29 =	sadd.s32 $0x80, s29;
	[tilespmem:s28+$0xFFFFFFE0] =	vst v4  }
0xe4: {  	v4 =	vld [tilespmem:s3+$0xFFFFFFA0];
	p1 =	slt.u32 s29, $0x780;
	[tilespmem:s28+$0xFFFFFFF0] =	vst v3  }
0xe5: {  	v3 =	vld [tilespmem:s3+$0xFFFFFFB0];
	[tilespmem:s28+$0x0] =	vst v0  }
0xe6: {  	v0 =	vld [tilespmem:s3+$0xFFFFFFC0];
	[tilespmem:s28+$0x10] =	vst v1  }
0xe7: {  	v1 =	vld [tilespmem:s3+$0xFFFFFFD0];
	[tilespmem:s28+$0x20] =	vst v2  }
0xe8: {  	v2 =	vld [tilespmem:s3+$0xFFFFFFE0];
	[tilespmem:s28+$0xFFFFFFC0] =	vst v5  }
0xe9: {  	v5 =	vld [tilespmem:s3+$0xFFFFFFF0]  }
0xea: {  	v7 =	vld [tilespmem:s3+$0xFFFFFF90]  }
0xeb: {  	v6 =	vld.idx.msk [tilespmem:v6+s5+$0x0], $0xffff  }
0xec: {  	v8 =	vld.idx.msk [tilespmem:v4+s5+$0x0], $0xffff  }
0xed: {  	v4 =	vld.idx.msk [tilespmem:v3+s5+$0x0], $0xffff  }
.Ltmp11:
0xee: {  	v3 =	vld.idx.msk [tilespmem:v0+s5+$0x0], $0xffff;
	(pc) =	sbr.rel @p1 .LBB2_14-.Ltmp11, $4  }
0xef: {  	v0 =	vld.idx.msk [tilespmem:v1+s5+$0x0], $0xffff  }
0xf0: {  	s28 =	sadd.s32 $0x80, s28;
	v1 =	vld.idx.msk [tilespmem:v2+s5+$0x0], $0xffff  }
0xf1: {  	v2 =	vld.idx.msk [tilespmem:v5+s5+$0x0], $0xffff;
	[tilespmem:s28+$0x30] =	vst v6  }
0xf2: {  	s3 =	sadd.s32 $0x80, s3;
	v5 =	vld.idx.msk [tilespmem:v7+s5+$0x0], $0xffff;
	[tilespmem:s28+$0xFFFFFFD0] =	vst v8  }
0xf3: {  	[tilespmem:s28+$0xFFFFFFE0] =	vst v4;
	s21 =	sadd.s32 $0x1, s21  }
0xf4: {  	[tilespmem:s28+$0xFFFFFFF0] =	vst v3;
	p1 =	sne.s32 s21, $0x4  }
.Ltmp12:
0xf5: {  	[tilespmem:s28+$0x0] =	vst v0;
	(pc) =	sbr.rel @p1 .LBB2_11-.Ltmp12, $4  }
.Ltmp13:
0xf6: {  	[tilespmem:s28+$0x10] =	vst v1;
	(pc) =	sbr.rel @!p1 .LBB2_16-.Ltmp13, $4  }
0xf7: {  	[tilespmem:s28+$0x20] =	vst v2  }
0xf8: {  	s3 =	sadd.s32 s23, s26;
	s24 =	sadd.s32 $0x1000, s24;
	s25 =	sadd.s32 $0x1000, s25;
	[tilespmem:s28+$0xFFFFFFC0] =	vst v5  }
0xf9: {  	[hbm4b:s3+s11] =	stream.strided.scatter [tilespmem:s16], [sflag:$0x2], $0x800, s12, s11, $0x38;
	[tilespmem:$0x1D700] =	vst v63  }
0xfa: {  	_ = 	snop  }
.LBB2_18:
0xfb: {  	_ =	sfence.sel $0x180000  }
0xfc: {  	[bflag:$0x0] =	sbarrier.arrive $0xFFFF  }
0xfd: {  	_ =	strace $0x90000047  }
0xfe: {  	[bflag:$0x2] =	sbarrier.arrive $0xFFFF  }
0xff: {  	p0 =	sne.s32 s0, $0x0;
	s0 =	rddreg [dreg:$0x4]  }
0x100: {  	s0 =	sadd.s32 @!p0 $0x100000, s0  }
0x101: {  	[sflag:s0] =	ssyncadd.tile.s32 @!p0 $0x1;
	_ =	shalt  }
.Lfunc_end2:
_tile_overlayer_lowered:
.L_overlay_start_2:
0x102: {  	(tag) =	ssettag $0x2  }
0x103: {  	s0 =	rddreg [dreg:$0x0];
	s2 =	stileid.u32  }
0x104: {  	s1 =	rddreg [dreg:$0x1];
	p0 =	sne.s32 s2, $0x0  }
0x105: {  	s3 =	rddreg [dreg:$0x2];
	[bflag:$0x3] =	sbarrier.arrive $0xFFFF;
	s2 =	simm.s32 @!p0 $0x1C03  }
0x106: {  	[timem:s3], [sflag:s2] =	dma.local @!p0 [hbm:s0], s1  }
0x107: {  	s0 =	simm.s32 @!p0 $0x3  }
0x108: {  	_ =	swait.ge @!p0 [sflag:s0], s1  }
0x109: {  	s1 =	ssub.s32 @!p0 $0x0, s1;
	[sflag:s0] =	ssyncset.done @!p0 $0x0  }
0x10a: {  	[sflag:s0] =	ssyncadd.s32 @!p0 s1  }
0x10b: {  	[bflag:$0x3] =	sbarrier.arrive $0xFFFF  }
0x10c: {  	_ =	shalt  }

</sc_bundles>
